<compile_context>
chip_gen: v7x
topology: tpu7x:2x2x1
jax: 0.10.2.dev20260603
libtpu: 0.0.44.dev20260713+nightly
codegen_flags: <defaults>
</compile_context>

<pallas_src>
import functools

import jax
import jax.numpy as jnp
from jax import lax
from jax.experimental import pallas as pl
from jax.experimental.pallas import tpu as pltpu
from jax.experimental.pallas import tpu_sc as plsc

N = 10000
D0 = 128
H0 = 128
C1 = 64
ND0 = 5000
ND1 = 1000
E0 = 320000
E1 = 64000

NC = 2
NS = 16
NW = NC * NS
L = 16

PAD0 = 5120
PAD1 = 1024


def _make_sc_agg(EP, D, PAD, CH):
    NB = 5
    EW = EP // NW
    CHUNKS = EW // CH
    GROUPS = CHUNKS // NB
    TAIL = CHUNKS % NB
    RPT = PAD // NS
    mesh = plsc.VectorSubcoreMesh(core_axis_name="c", subcore_axis_name="s")

    @functools.partial(
        pl.kernel,
        mesh=mesh,
        out_type=(
            jax.ShapeDtypeStruct((NC, PAD, D), jnp.float32),
            jax.ShapeDtypeStruct((NW, PAD), jnp.float32),
        ),
        scratch_types=[
            [pltpu.VMEM((CH,), jnp.int32)] * NB,
            [pltpu.VMEM((CH,), jnp.int32)] * NB,
            [pltpu.VMEM((CH, D), jnp.float32)] * NB,
            pltpu.VMEM((PAD,), jnp.float32),
            pltpu.VMEM_SHARED((PAD, D), jnp.float32),
            [pltpu.SemaphoreType.DMA] * NB,
            [pltpu.SemaphoreType.DMA] * NB,
        ],
        compiler_params=pltpu.CompilerParams(needs_layout_passes=False),
    )
    def agg_kernel(table, src_e, dst_e, zacc, zdeg, agg_out, deg_out,
                   src_v, dst_v, rows_v, deg_v, sh_acc, sems, ssems):
        cid = lax.axis_index("c")
        sid = lax.axis_index("s")
        wid = sid * NC + cid
        pltpu.sync_copy(zacc.at[pl.ds(sid * RPT, RPT)],
                        sh_acc.at[pl.ds(sid * RPT, RPT)])
        pltpu.sync_copy(zdeg, deg_v)
        plsc.subcore_barrier()

        base = wid * EW
        ones = jnp.full((L,), 1.0, jnp.float32)

        def start(off, b):
            pltpu.sync_copy(src_e.at[pl.ds(off, CH)], src_v[b])
            pltpu.sync_copy(dst_e.at[pl.ds(off, CH)], dst_v[b])
            return pltpu.async_copy(table.at[src_v[b]], rows_v[b], sems[b])

        def finish(handle, b):
            handle.wait()
            h = pltpu.async_copy(rows_v[b], sh_acc.at[dst_v[b]], ssems[b],
                                 add=True)
            for j in range(CH // L):
                dv = dst_v[b][pl.ds(j * L, L)]
                plsc.addupdate_scatter(deg_v, [dv], ones)
            return h

        def outer(o, carry):
            off = base + o * (NB * CH)
            handles = [start(off + b * CH, b) for b in range(NB)]
            shandles = [finish(handles[b], b) for b in range(NB)]
            for sh in shandles:
                sh.wait()
            return carry

        lax.fori_loop(0, GROUPS, outer, 0)
        for t in range(TAIL):
            off = base + (GROUPS * NB + t) * CH
            finish(start(off, t), t).wait()
        plsc.subcore_barrier()
        pltpu.sync_copy(sh_acc.at[pl.ds(sid * RPT, RPT)],
                        agg_out.at[cid, pl.ds(sid * RPT, RPT)])
        pltpu.sync_copy(deg_v, deg_out.at[wid])

    return agg_kernel


CH = 80
E0P = E0
E1P = E1

_sc_agg0 = _make_sc_agg(E0P, D0, PAD0, CH)
_sc_agg1 = _make_sc_agg(E1P, H0, PAD1, CH)




def _tc_layer0_body(agg_ref, deg_ref, h_ref, wn0, ws0, b0r, g0r, be0r,
                    ws1, b1r, x_ref, xs_ref):
    deg = jnp.sum(deg_ref[...], axis=0)[:ND0]
    aggs = agg_ref[0, :ND0, :] + agg_ref[1, :ND0, :]
    mean = aggs / jnp.maximum(deg, 1.0)[:, None]
    dn = (((1,), (1,)), ((), ()))
    z = (lax.dot_general(mean, wn0[...], dn, preferred_element_type=jnp.float32)
         + lax.dot_general(h_ref[...], ws0[...], dn, preferred_element_type=jnp.float32)
         + b0r[...][None, :])
    mu = jnp.mean(z, axis=-1, keepdims=True)
    zc = z - mu
    var = jnp.mean(zc * zc, axis=-1, keepdims=True)
    xn = zc * lax.rsqrt(var + 1e-5)
    x = jnp.maximum(xn * g0r[...][None, :] + be0r[...][None, :], 0.0)
    x_ref[...] = x
    x1 = x[:ND1]
    xs_ref[...] = (lax.dot_general(x1, ws1[...], dn, preferred_element_type=jnp.float32)
                   + b1r[...][None, :])


def _tc_layer1_body(agg_ref, deg_ref, xs_ref, wn1, out_ref):
    deg = jnp.sum(deg_ref[...], axis=0)[:ND1]
    aggs = agg_ref[0, :ND1, :] + agg_ref[1, :ND1, :]
    mean = aggs / jnp.maximum(deg, 1.0)[:, None]
    dn = (((1,), (1,)), ((), ()))
    out_ref[...] = (lax.dot_general(mean, wn1[...], dn,
                                    preferred_element_type=jnp.float32)
                    + xs_ref[...])


def kernel(h, edge_index0, edge_index1, W_neigh0, W_self0, b0,
           gamma0, beta0, W_neigh1, W_self1, b1):
    zacc0 = jnp.zeros((PAD0, D0), jnp.float32)
    zdeg0 = jnp.zeros((PAD0,), jnp.float32)
    zacc1 = jnp.zeros((PAD1, H0), jnp.float32)
    zdeg1 = jnp.zeros((PAD1,), jnp.float32)

    agg0, deg0 = _sc_agg0(h, edge_index0[0], edge_index0[1], zacc0, zdeg0)

    h5k = lax.slice(h, (0, 0), (ND0, D0))
    x, xs = pl.pallas_call(
        _tc_layer0_body,
        out_shape=(
            jax.ShapeDtypeStruct((ND0, H0), jnp.float32),
            jax.ShapeDtypeStruct((ND1, C1), jnp.float32),
        ),
    )(agg0, deg0, h5k, W_neigh0, W_self0, b0, gamma0, beta0,
      W_self1, b1)

    agg1, deg1 = _sc_agg1(x, edge_index1[0], edge_index1[1], zacc1, zdeg1)

    out = pl.pallas_call(
        _tc_layer1_body,
        out_shape=jax.ShapeDtypeStruct((ND1, C1), jnp.float32),
    )(agg1, deg1, xs, W_neigh1)
    return out

# --- scband reference (transcript-rebuilt; emitter-appended) ---
"""Pipeline reference for scband-sage-model-23235773072074 (READ-ONLY COPY).

The authoritative reference and input builder live on the scoring server;
editing this copy changes nothing except your own understanding.
"""

import jax, jax.numpy as jnp
import numpy as np

N = 10000
D = 128
H = 128
C = 64
ND0 = 5000
ND1 = 1000
E0 = 320000
E1 = 64000


def _sage_mean(h_src, h_dst, src, dst, W_neigh, W_self, b, num_dst):
    # DGL SAGEConv(aggregator_type='mean'): out = fc_self(h_dst) + fc_neigh(mean_{u in N(v)} h_src[u])
    msg = jnp.take(h_src, src, axis=0)
    agg = jax.ops.segment_sum(msg, dst, num_segments=num_dst)
    deg = jax.ops.segment_sum(jnp.ones((src.shape[0],), jnp.float32), dst, num_segments=num_dst)
    mean = agg / jnp.maximum(deg, 1.0)[:, None]
    return mean @ W_neigh.T + h_dst @ W_self.T + b


def _layer_norm(x, gamma, beta, eps=1e-5):
    mu = jnp.mean(x, axis=-1, keepdims=True)
    var = jnp.mean((x - mu) ** 2, axis=-1, keepdims=True)
    return (x - mu) / jnp.sqrt(var + eps) * gamma + beta


def setup_inputs(seed: int = 0) -> dict:
    key = jax.random.key(seed)
    ks = jax.random.split(key, 12)
    h = jax.random.normal(ks[0], (N, D), dtype=jnp.float32)
    edge_index0 = jax.random.randint(ks[1], (2, E0), 0, ND0, dtype=jnp.int32)
    edge_index1 = jax.random.randint(ks[2], (2, E1), 0, ND1, dtype=jnp.int32)
    W_neigh0 = jax.random.normal(ks[3], (H, D), dtype=jnp.float32) * 0.05
    W_self0 = jax.random.normal(ks[4], (H, D), dtype=jnp.float32) * 0.05
    b0 = jnp.zeros((H,), jnp.float32)
    gamma0 = jnp.ones((H,), jnp.float32)
    beta0 = jnp.zeros((H,), jnp.float32)
    W_neigh1 = jax.random.normal(ks[5], (C, H), dtype=jnp.float32) * 0.05
    W_self1 = jax.random.normal(ks[6], (C, H), dtype=jnp.float32) * 0.05
    b1 = jnp.zeros((C,), jnp.float32)
    return {
        'h': h, 'edge_index0': edge_index0, 'edge_index1': edge_index1,
        'W_neigh0': W_neigh0, 'W_self0': W_self0, 'b0': b0,
        'gamma0': gamma0, 'beta0': beta0,
        'W_neigh1': W_neigh1, 'W_self1': W_self1, 'b1': b1,
    }


def reference(h, edge_index0, edge_index1, W_neigh0, W_self0, b0, gamma0, beta0, W_neigh1, W_self1, b1):
    # Layer 0: SAGEConv(D -> H, mean), dropout(p=0) is identity, LayerNorm, ReLU
    h_dst0 = h[:ND0]
    x = _sage_mean(h, h_dst0, edge_index0[0], edge_index0[1], W_neigh0, W_self0, b0, ND0)
    x = _layer_norm(x, gamma0, beta0)
    x = jax.nn.relu(x)
    # Layer 1: SAGEConv(H -> C, mean)
    h_dst1 = x[:ND1]
    out = _sage_mean(x, h_dst1, edge_index1[0], edge_index1[1], W_neigh1, W_self1, b1, ND1)
    return out

if __name__ == "__main__":
    import jax
    _d = setup_inputs()
    print(jax.jit(kernel)(*tuple(_d.values())))

</pallas_src>

<mosaic_0001>
#map = affine_map<(d0, d1) -> (0, 0)>
#map1 = affine_map<(d0, d1) -> (0)>
#map2 = affine_map<(d0, d1) -> (0, 0, 0)>
module attributes {stable_mosaic.version = 14 : i64} {
  func.func @agg_kernel(%arg0: i32, %arg1: i32, %arg2: memref<5000x128xf32, #tpu.memory_space<hbm>>, %arg3: memref<64000xi32, #tpu.memory_space<hbm>>, %arg4: memref<64000xi32, #tpu.memory_space<hbm>>, %arg5: memref<1024x128xf32, #tpu.memory_space<hbm>>, %arg6: memref<1024xf32, #tpu.memory_space<hbm>>, %arg7: memref<2x1024x128xf32, #tpu.memory_space<hbm>>, %arg8: memref<32x1024xf32, #tpu.memory_space<hbm>>, %arg9: memref<80xi32, #tpu.memory_space<vmem>>, %arg10: memref<80xi32, #tpu.memory_space<vmem>>, %arg11: memref<80xi32, #tpu.memory_space<vmem>>, %arg12: memref<80xi32, #tpu.memory_space<vmem>>, %arg13: memref<80xi32, #tpu.memory_space<vmem>>, %arg14: memref<80xi32, #tpu.memory_space<vmem>>, %arg15: memref<80xi32, #tpu.memory_space<vmem>>, %arg16: memref<80xi32, #tpu.memory_space<vmem>>, %arg17: memref<80xi32, #tpu.memory_space<vmem>>, %arg18: memref<80xi32, #tpu.memory_space<vmem>>, %arg19: memref<80x128xf32, #tpu.memory_space<vmem>>, %arg20: memref<80x128xf32, #tpu.memory_space<vmem>>, %arg21: memref<80x128xf32, #tpu.memory_space<vmem>>, %arg22: memref<80x128xf32, #tpu.memory_space<vmem>>, %arg23: memref<80x128xf32, #tpu.memory_space<vmem>>, %arg24: memref<1024xf32, #tpu.memory_space<vmem>>, %arg25: memref<1024x128xf32, #tpu.memory_space<vmem_shared>>, %arg26: memref<!tpu.dma_semaphore, #tpu.memory_space<semaphore_mem>>, %arg27: memref<!tpu.dma_semaphore, #tpu.memory_space<semaphore_mem>>, %arg28: memref<!tpu.dma_semaphore, #tpu.memory_space<semaphore_mem>>, %arg29: memref<!tpu.dma_semaphore, #tpu.memory_space<semaphore_mem>>, %arg30: memref<!tpu.dma_semaphore, #tpu.memory_space<semaphore_mem>>, %arg31: memref<!tpu.dma_semaphore, #tpu.memory_space<semaphore_mem>>, %arg32: memref<!tpu.dma_semaphore, #tpu.memory_space<semaphore_mem>>, %arg33: memref<!tpu.dma_semaphore, #tpu.memory_space<semaphore_mem>>, %arg34: memref<!tpu.dma_semaphore, #tpu.memory_space<semaphore_mem>>, %arg35: memref<!tpu.dma_semaphore, #tpu.memory_space<semaphore_mem>>) attributes {dimension_semantics = [#tpu.dimension_semantics<core_parallel>, #tpu.dimension_semantics<subcore_parallel>], iteration_bounds = array<i64: 2, 16>, scalar_prefetch = 0 : i64, scratch_operands = 27 : i64, tpu.core_type = #tpu.core_type<sc_vector_subcore>, window_params = [{transform_indices = #map}, {transform_indices = #map1}, {transform_indices = #map1}, {transform_indices = #map}, {transform_indices = #map1}, {transform_indices = #map2}, {transform_indices = #map}]} {
    %mul3A = arith.constant 2 : i32
    %mul3A_0 = arith.muli %arg1, %mul3A : i32
    %add3A = arith.addi %mul3A_0, %arg0 : i32
    %mul3A_1 = arith.constant 64 : i32
    %mul3A_2 = arith.muli %arg1, %mul3A_1 : i32
    %mul3A_3 = arith.constant 64 : i32
    %mul3A_4 = arith.muli %arg1, %mul3A_3 : i32
    "tpu.region"() ({
      %run_scoped3A = tpu.sem_alloc : memref<!tpu.dma_semaphore, #tpu.memory_space<semaphore_mem>>
      %dma_start3A = arith.constant 0 : i32
      %dma_start3A_18 = tpu.memref_slice %arg25[%mul3A_4, %dma_start3A] : memref<1024x128xf32, #tpu.memory_space<vmem_shared>> -> memref<64x128xf32, #tpu.memory_space<vmem_shared>>
      %dma_start3A_19 = arith.constant 0 : i32
      %dma_start3A_20 = tpu.memref_slice %arg5[%mul3A_2, %dma_start3A_19] : memref<1024x128xf32, #tpu.memory_space<hbm>> -> memref<64x128xf32, #tpu.memory_space<hbm>>
      tpu.enqueue_dma source(%dma_start3A_20 : memref<64x128xf32, #tpu.memory_space<hbm>>) target(%dma_start3A_18 : memref<64x128xf32, #tpu.memory_space<vmem_shared>>) target_semaphore(%run_scoped3A : memref<!tpu.dma_semaphore, #tpu.memory_space<semaphore_mem>>)
      %dma_wait3A = arith.constant 0 : i32
      %dma_wait3A_21 = tpu.memref_slice %arg25[%mul3A_4, %dma_wait3A] : memref<1024x128xf32, #tpu.memory_space<vmem_shared>> -> memref<64x128xf32, #tpu.memory_space<vmem_shared>>
      %dma_wait3A_22 = arith.constant 0 : i32
      %dma_wait3A_23 = tpu.memref_slice %arg5[%mul3A_2, %dma_wait3A_22] : memref<1024x128xf32, #tpu.memory_space<hbm>> -> memref<64x128xf32, #tpu.memory_space<hbm>>
      tpu.wait_dma2 semaphore(%run_scoped3A : memref<!tpu.dma_semaphore, #tpu.memory_space<semaphore_mem>>) src(%dma_wait3A_23 : memref<64x128xf32, #tpu.memory_space<hbm>>) dst(%dma_wait3A_21 : memref<64x128xf32, #tpu.memory_space<vmem_shared>>)
      tpu.yield
    }) : () -> ()
    "tpu.region"() ({
      %run_scoped3A = tpu.sem_alloc : memref<!tpu.dma_semaphore, #tpu.memory_space<semaphore_mem>>
      tpu.enqueue_dma source(%arg6 : memref<1024xf32, #tpu.memory_space<hbm>>) target(%arg24 : memref<1024xf32, #tpu.memory_space<vmem>>) target_semaphore(%run_scoped3A : memref<!tpu.dma_semaphore, #tpu.memory_space<semaphore_mem>>)
      tpu.wait_dma2 semaphore(%run_scoped3A : memref<!tpu.dma_semaphore, #tpu.memory_space<semaphore_mem>>) src(%arg6 : memref<1024xf32, #tpu.memory_space<hbm>>) dst(%arg24 : memref<1024xf32, #tpu.memory_space<vmem>>)
      tpu.yield
    }) : () -> ()
    %barrier3A = arith.constant 0 : index
    tpu.barrier barrier_id(%barrier3A)
    %mul3A_5 = arith.constant 2000 : i32
    %mul3A_6 = arith.muli %add3A, %mul3A_5 : i32
    %broadcast_in_dim3A = arith.constant 1.000000e+00 : f32
    %broadcast_in_dim3A_7 = vector.broadcast %broadcast_in_dim3A : f32 to vector<16xf32>
    %scan3A = arith.constant 0 : i32
    %scan3A_8 = arith.constant 0 : i32
    %scan3A_9 = arith.constant 5 : i32
    %scan3A_10 = arith.addi %scan3A_8, %scan3A_9 : i32
    %scan3A_11 = arith.constant 1 : i32
    scf.for %scan3A_18 = %scan3A_8 to %scan3A_10 step %scan3A_11  : i32 {
      %mul3A_19 = arith.constant 400 : i32
      %mul3A_20 = arith.muli %scan3A_18, %mul3A_19 : i32
      %add3A_21 = arith.addi %mul3A_6, %mul3A_20 : i32
      %add3A_22 = arith.constant 0 : i32
      %add3A_23 = arith.addi %add3A_21, %add3A_22 : i32
      "tpu.region"() ({
        %run_scoped3A = tpu.sem_alloc : memref<!tpu.dma_semaphore, #tpu.memory_space<semaphore_mem>>
        %dma_start3A_139 = tpu.memref_slice %arg3[%add3A_23] : memref<64000xi32, #tpu.memory_space<hbm>> -> memref<80xi32, #tpu.memory_space<hbm>>
        %dma_start3A_140 = tpu.memref_slice %arg3[%add3A_23] : memref<64000xi32, #tpu.memory_space<hbm>> -> memref<80xi32, #tpu.memory_space<hbm>>
        tpu.enqueue_dma source(%dma_start3A_140 : memref<80xi32, #tpu.memory_space<hbm>>) target(%arg9 : memref<80xi32, #tpu.memory_space<vmem>>) target_semaphore(%run_scoped3A : memref<!tpu.dma_semaphore, #tpu.memory_space<semaphore_mem>>)
        %dma_wait3A_141 = tpu.memref_slice %arg3[%add3A_23] : memref<64000xi32, #tpu.memory_space<hbm>> -> memref<80xi32, #tpu.memory_space<hbm>>
        %dma_wait3A_142 = tpu.memref_slice %arg3[%add3A_23] : memref<64000xi32, #tpu.memory_space<hbm>> -> memref<80xi32, #tpu.memory_space<hbm>>
        tpu.wait_dma2 semaphore(%run_scoped3A : memref<!tpu.dma_semaphore, #tpu.memory_space<semaphore_mem>>) src(%dma_wait3A_142 : memref<80xi32, #tpu.memory_space<hbm>>) dst(%arg9 : memref<80xi32, #tpu.memory_space<vmem>>)
        tpu.yield
      }) : () -> ()
      "tpu.region"() ({
        %run_scoped3A = tpu.sem_alloc : memref<!tpu.dma_semaphore, #tpu.memory_space<semaphore_mem>>
        %dma_start3A_139 = tpu.memref_slice %arg4[%add3A_23] : memref<64000xi32, #tpu.memory_space<hbm>> -> memref<80xi32, #tpu.memory_space<hbm>>
        %dma_start3A_140 = tpu.memref_slice %arg4[%add3A_23] : memref<64000xi32, #tpu.memory_space<hbm>> -> memref<80xi32, #tpu.memory_space<hbm>>
        tpu.enqueue_dma source(%dma_start3A_140 : memref<80xi32, #tpu.memory_space<hbm>>) target(%arg14 : memref<80xi32, #tpu.memory_space<vmem>>) target_semaphore(%run_scoped3A : memref<!tpu.dma_semaphore, #tpu.memory_space<semaphore_mem>>)
        %dma_wait3A_141 = tpu.memref_slice %arg4[%add3A_23] : memref<64000xi32, #tpu.memory_space<hbm>> -> memref<80xi32, #tpu.memory_space<hbm>>
        %dma_wait3A_142 = tpu.memref_slice %arg4[%add3A_23] : memref<64000xi32, #tpu.memory_space<hbm>> -> memref<80xi32, #tpu.memory_space<hbm>>
        tpu.wait_dma2 semaphore(%run_scoped3A : memref<!tpu.dma_semaphore, #tpu.memory_space<semaphore_mem>>) src(%dma_wait3A_142 : memref<80xi32, #tpu.memory_space<hbm>>) dst(%arg14 : memref<80xi32, #tpu.memory_space<vmem>>)
        tpu.yield
      }) : () -> ()
      %dma_start3A = arith.constant 0 : i32
      %dma_start3A_24 = arith.constant 0 : i32
      %dma_start3A_25 = tpu.memref_slice %arg2[%dma_start3A, %dma_start3A_24] : memref<5000x128xf32, #tpu.memory_space<hbm>> -> memref<5000x128xf32, #tpu.memory_space<hbm>>
      tpu.enqueue_indirect_dma source(%dma_start3A_25 : memref<5000x128xf32, #tpu.memory_space<hbm>>) target(%arg19 : memref<80x128xf32, #tpu.memory_space<vmem>>) offsets(%arg9 : memref<80xi32, #tpu.memory_space<vmem>>) semaphore(%arg26 : memref<!tpu.dma_semaphore, #tpu.memory_space<semaphore_mem>>)
      %add3A_26 = arith.constant 80 : i32
      %add3A_27 = arith.addi %add3A_21, %add3A_26 : i32
      "tpu.region"() ({
        %run_scoped3A = tpu.sem_alloc : memref<!tpu.dma_semaphore, #tpu.memory_space<semaphore_mem>>
        %dma_start3A_139 = tpu.memref_slice %arg3[%add3A_27] : memref<64000xi32, #tpu.memory_space<hbm>> -> memref<80xi32, #tpu.memory_space<hbm>>
        %dma_start3A_140 = tpu.memref_slice %arg3[%add3A_27] : memref<64000xi32, #tpu.memory_space<hbm>> -> memref<80xi32, #tpu.memory_space<hbm>>
        tpu.enqueue_dma source(%dma_start3A_140 : memref<80xi32, #tpu.memory_space<hbm>>) target(%arg10 : memref<80xi32, #tpu.memory_space<vmem>>) target_semaphore(%run_scoped3A : memref<!tpu.dma_semaphore, #tpu.memory_space<semaphore_mem>>)
        %dma_wait3A_141 = tpu.memref_slice %arg3[%add3A_27] : memref<64000xi32, #tpu.memory_space<hbm>> -> memref<80xi32, #tpu.memory_space<hbm>>
        %dma_wait3A_142 = tpu.memref_slice %arg3[%add3A_27] : memref<64000xi32, #tpu.memory_space<hbm>> -> memref<80xi32, #tpu.memory_space<hbm>>
        tpu.wait_dma2 semaphore(%run_scoped3A : memref<!tpu.dma_semaphore, #tpu.memory_space<semaphore_mem>>) src(%dma_wait3A_142 : memref<80xi32, #tpu.memory_space<hbm>>) dst(%arg10 : memref<80xi32, #tpu.memory_space<vmem>>)
        tpu.yield
      }) : () -> ()
      "tpu.region"() ({
        %run_scoped3A = tpu.sem_alloc : memref<!tpu.dma_semaphore, #tpu.memory_space<semaphore_mem>>
        %dma_start3A_139 = tpu.memref_slice %arg4[%add3A_27] : memref<64000xi32, #tpu.memory_space<hbm>> -> memref<80xi32, #tpu.memory_space<hbm>>
        %dma_start3A_140 = tpu.memref_slice %arg4[%add3A_27] : memref<64000xi32, #tpu.memory_space<hbm>> -> memref<80xi32, #tpu.memory_space<hbm>>
        tpu.enqueue_dma source(%dma_start3A_140 : memref<80xi32, #tpu.memory_space<hbm>>) target(%arg15 : memref<80xi32, #tpu.memory_space<vmem>>) target_semaphore(%run_scoped3A : memref<!tpu.dma_semaphore, #tpu.memory_space<semaphore_mem>>)
        %dma_wait3A_141 = tpu.memref_slice %arg4[%add3A_27] : memref<64000xi32, #tpu.memory_space<hbm>> -> memref<80xi32, #tpu.memory_space<hbm>>
        %dma_wait3A_142 = tpu.memref_slice %arg4[%add3A_27] : memref<64000xi32, #tpu.memory_space<hbm>> -> memref<80xi32, #tpu.memory_space<hbm>>
        tpu.wait_dma2 semaphore(%run_scoped3A : memref<!tpu.dma_semaphore, #tpu.memory_space<semaphore_mem>>) src(%dma_wait3A_142 : memref<80xi32, #tpu.memory_space<hbm>>) dst(%arg15 : memref<80xi32, #tpu.memory_space<vmem>>)
        tpu.yield
      }) : () -> ()
      %dma_start3A_28 = arith.constant 0 : i32
      %dma_start3A_29 = arith.constant 0 : i32
      %dma_start3A_30 = tpu.memref_slice %arg2[%dma_start3A_28, %dma_start3A_29] : memref<5000x128xf32, #tpu.memory_space<hbm>> -> memref<5000x128xf32, #tpu.memory_space<hbm>>
      tpu.enqueue_indirect_dma source(%dma_start3A_30 : memref<5000x128xf32, #tpu.memory_space<hbm>>) target(%arg20 : memref<80x128xf32, #tpu.memory_space<vmem>>) offsets(%arg10 : memref<80xi32, #tpu.memory_space<vmem>>) semaphore(%arg27 : memref<!tpu.dma_semaphore, #tpu.memory_space<semaphore_mem>>)
      %add3A_31 = arith.constant 160 : i32
      %add3A_32 = arith.addi %add3A_21, %add3A_31 : i32
      "tpu.region"() ({
        %run_scoped3A = tpu.sem_alloc : memref<!tpu.dma_semaphore, #tpu.memory_space<semaphore_mem>>
        %dma_start3A_139 = tpu.memref_slice %arg3[%add3A_32] : memref<64000xi32, #tpu.memory_space<hbm>> -> memref<80xi32, #tpu.memory_space<hbm>>
        %dma_start3A_140 = tpu.memref_slice %arg3[%add3A_32] : memref<64000xi32, #tpu.memory_space<hbm>> -> memref<80xi32, #tpu.memory_space<hbm>>
        tpu.enqueue_dma source(%dma_start3A_140 : memref<80xi32, #tpu.memory_space<hbm>>) target(%arg11 : memref<80xi32, #tpu.memory_space<vmem>>) target_semaphore(%run_scoped3A : memref<!tpu.dma_semaphore, #tpu.memory_space<semaphore_mem>>)
        %dma_wait3A_141 = tpu.memref_slice %arg3[%add3A_32] : memref<64000xi32, #tpu.memory_space<hbm>> -> memref<80xi32, #tpu.memory_space<hbm>>
        %dma_wait3A_142 = tpu.memref_slice %arg3[%add3A_32] : memref<64000xi32, #tpu.memory_space<hbm>> -> memref<80xi32, #tpu.memory_space<hbm>>
        tpu.wait_dma2 semaphore(%run_scoped3A : memref<!tpu.dma_semaphore, #tpu.memory_space<semaphore_mem>>) src(%dma_wait3A_142 : memref<80xi32, #tpu.memory_space<hbm>>) dst(%arg11 : memref<80xi32, #tpu.memory_space<vmem>>)
        tpu.yield
      }) : () -> ()
      "tpu.region"() ({
        %run_scoped3A = tpu.sem_alloc : memref<!tpu.dma_semaphore, #tpu.memory_space<semaphore_mem>>
        %dma_start3A_139 = tpu.memref_slice %arg4[%add3A_32] : memref<64000xi32, #tpu.memory_space<hbm>> -> memref<80xi32, #tpu.memory_space<hbm>>
        %dma_start3A_140 = tpu.memref_slice %arg4[%add3A_32] : memref<64000xi32, #tpu.memory_space<hbm>> -> memref<80xi32, #tpu.memory_space<hbm>>
        tpu.enqueue_dma source(%dma_start3A_140 : memref<80xi32, #tpu.memory_space<hbm>>) target(%arg16 : memref<80xi32, #tpu.memory_space<vmem>>) target_semaphore(%run_scoped3A : memref<!tpu.dma_semaphore, #tpu.memory_space<semaphore_mem>>)
        %dma_wait3A_141 = tpu.memref_slice %arg4[%add3A_32] : memref<64000xi32, #tpu.memory_space<hbm>> -> memref<80xi32, #tpu.memory_space<hbm>>
        %dma_wait3A_142 = tpu.memref_slice %arg4[%add3A_32] : memref<64000xi32, #tpu.memory_space<hbm>> -> memref<80xi32, #tpu.memory_space<hbm>>
        tpu.wait_dma2 semaphore(%run_scoped3A : memref<!tpu.dma_semaphore, #tpu.memory_space<semaphore_mem>>) src(%dma_wait3A_142 : memref<80xi32, #tpu.memory_space<hbm>>) dst(%arg16 : memref<80xi32, #tpu.memory_space<vmem>>)
        tpu.yield
      }) : () -> ()
      %dma_start3A_33 = arith.constant 0 : i32
      %dma_start3A_34 = arith.constant 0 : i32
      %dma_start3A_35 = tpu.memref_slice %arg2[%dma_start3A_33, %dma_start3A_34] : memref<5000x128xf32, #tpu.memory_space<hbm>> -> memref<5000x128xf32, #tpu.memory_space<hbm>>
      tpu.enqueue_indirect_dma source(%dma_start3A_35 : memref<5000x128xf32, #tpu.memory_space<hbm>>) target(%arg21 : memref<80x128xf32, #tpu.memory_space<vmem>>) offsets(%arg11 : memref<80xi32, #tpu.memory_space<vmem>>) semaphore(%arg28 : memref<!tpu.dma_semaphore, #tpu.memory_space<semaphore_mem>>)
      %add3A_36 = arith.constant 240 : i32
      %add3A_37 = arith.addi %add3A_21, %add3A_36 : i32
      "tpu.region"() ({
        %run_scoped3A = tpu.sem_alloc : memref<!tpu.dma_semaphore, #tpu.memory_space<semaphore_mem>>
        %dma_start3A_139 = tpu.memref_slice %arg3[%add3A_37] : memref<64000xi32, #tpu.memory_space<hbm>> -> memref<80xi32, #tpu.memory_space<hbm>>
        %dma_start3A_140 = tpu.memref_slice %arg3[%add3A_37] : memref<64000xi32, #tpu.memory_space<hbm>> -> memref<80xi32, #tpu.memory_space<hbm>>
        tpu.enqueue_dma source(%dma_start3A_140 : memref<80xi32, #tpu.memory_space<hbm>>) target(%arg12 : memref<80xi32, #tpu.memory_space<vmem>>) target_semaphore(%run_scoped3A : memref<!tpu.dma_semaphore, #tpu.memory_space<semaphore_mem>>)
        %dma_wait3A_141 = tpu.memref_slice %arg3[%add3A_37] : memref<64000xi32, #tpu.memory_space<hbm>> -> memref<80xi32, #tpu.memory_space<hbm>>
        %dma_wait3A_142 = tpu.memref_slice %arg3[%add3A_37] : memref<64000xi32, #tpu.memory_space<hbm>> -> memref<80xi32, #tpu.memory_space<hbm>>
        tpu.wait_dma2 semaphore(%run_scoped3A : memref<!tpu.dma_semaphore, #tpu.memory_space<semaphore_mem>>) src(%dma_wait3A_142 : memref<80xi32, #tpu.memory_space<hbm>>) dst(%arg12 : memref<80xi32, #tpu.memory_space<vmem>>)
        tpu.yield
      }) : () -> ()
      "tpu.region"() ({
        %run_scoped3A = tpu.sem_alloc : memref<!tpu.dma_semaphore, #tpu.memory_space<semaphore_mem>>
        %dma_start3A_139 = tpu.memref_slice %arg4[%add3A_37] : memref<64000xi32, #tpu.memory_space<hbm>> -> memref<80xi32, #tpu.memory_space<hbm>>
        %dma_start3A_140 = tpu.memref_slice %arg4[%add3A_37] : memref<64000xi32, #tpu.memory_space<hbm>> -> memref<80xi32, #tpu.memory_space<hbm>>
        tpu.enqueue_dma source(%dma_start3A_140 : memref<80xi32, #tpu.memory_space<hbm>>) target(%arg17 : memref<80xi32, #tpu.memory_space<vmem>>) target_semaphore(%run_scoped3A : memref<!tpu.dma_semaphore, #tpu.memory_space<semaphore_mem>>)
        %dma_wait3A_141 = tpu.memref_slice %arg4[%add3A_37] : memref<64000xi32, #tpu.memory_space<hbm>> -> memref<80xi32, #tpu.memory_space<hbm>>
        %dma_wait3A_142 = tpu.memref_slice %arg4[%add3A_37] : memref<64000xi32, #tpu.memory_space<hbm>> -> memref<80xi32, #tpu.memory_space<hbm>>
        tpu.wait_dma2 semaphore(%run_scoped3A : memref<!tpu.dma_semaphore, #tpu.memory_space<semaphore_mem>>) src(%dma_wait3A_142 : memref<80xi32, #tpu.memory_space<hbm>>) dst(%arg17 : memref<80xi32, #tpu.memory_space<vmem>>)
        tpu.yield
      }) : () -> ()
      %dma_start3A_38 = arith.constant 0 : i32
      %dma_start3A_39 = arith.constant 0 : i32
      %dma_start3A_40 = tpu.memref_slice %arg2[%dma_start3A_38, %dma_start3A_39] : memref<5000x128xf32, #tpu.memory_space<hbm>> -> memref<5000x128xf32, #tpu.memory_space<hbm>>
      tpu.enqueue_indirect_dma source(%dma_start3A_40 : memref<5000x128xf32, #tpu.memory_space<hbm>>) target(%arg22 : memref<80x128xf32, #tpu.memory_space<vmem>>) offsets(%arg12 : memref<80xi32, #tpu.memory_space<vmem>>) semaphore(%arg29 : memref<!tpu.dma_semaphore, #tpu.memory_space<semaphore_mem>>)
      %add3A_41 = arith.constant 320 : i32
      %add3A_42 = arith.addi %add3A_21, %add3A_41 : i32
      "tpu.region"() ({
        %run_scoped3A = tpu.sem_alloc : memref<!tpu.dma_semaphore, #tpu.memory_space<semaphore_mem>>
        %dma_start3A_139 = tpu.memref_slice %arg3[%add3A_42] : memref<64000xi32, #tpu.memory_space<hbm>> -> memref<80xi32, #tpu.memory_space<hbm>>
        %dma_start3A_140 = tpu.memref_slice %arg3[%add3A_42] : memref<64000xi32, #tpu.memory_space<hbm>> -> memref<80xi32, #tpu.memory_space<hbm>>
        tpu.enqueue_dma source(%dma_start3A_140 : memref<80xi32, #tpu.memory_space<hbm>>) target(%arg13 : memref<80xi32, #tpu.memory_space<vmem>>) target_semaphore(%run_scoped3A : memref<!tpu.dma_semaphore, #tpu.memory_space<semaphore_mem>>)
        %dma_wait3A_141 = tpu.memref_slice %arg3[%add3A_42] : memref<64000xi32, #tpu.memory_space<hbm>> -> memref<80xi32, #tpu.memory_space<hbm>>
        %dma_wait3A_142 = tpu.memref_slice %arg3[%add3A_42] : memref<64000xi32, #tpu.memory_space<hbm>> -> memref<80xi32, #tpu.memory_space<hbm>>
        tpu.wait_dma2 semaphore(%run_scoped3A : memref<!tpu.dma_semaphore, #tpu.memory_space<semaphore_mem>>) src(%dma_wait3A_142 : memref<80xi32, #tpu.memory_space<hbm>>) dst(%arg13 : memref<80xi32, #tpu.memory_space<vmem>>)
        tpu.yield
      }) : () -> ()
      "tpu.region"() ({
        %run_scoped3A = tpu.sem_alloc : memref<!tpu.dma_semaphore, #tpu.memory_space<semaphore_mem>>
        %dma_start3A_139 = tpu.memref_slice %arg4[%add3A_42] : memref<64000xi32, #tpu.memory_space<hbm>> -> memref<80xi32, #tpu.memory_space<hbm>>
        %dma_start3A_140 = tpu.memref_slice %arg4[%add3A_42] : memref<64000xi32, #tpu.memory_space<hbm>> -> memref<80xi32, #tpu.memory_space<hbm>>
        tpu.enqueue_dma source(%dma_start3A_140 : memref<80xi32, #tpu.memory_space<hbm>>) target(%arg18 : memref<80xi32, #tpu.memory_space<vmem>>) target_semaphore(%run_scoped3A : memref<!tpu.dma_semaphore, #tpu.memory_space<semaphore_mem>>)
        %dma_wait3A_141 = tpu.memref_slice %arg4[%add3A_42] : memref<64000xi32, #tpu.memory_space<hbm>> -> memref<80xi32, #tpu.memory_space<hbm>>
        %dma_wait3A_142 = tpu.memref_slice %arg4[%add3A_42] : memref<64000xi32, #tpu.memory_space<hbm>> -> memref<80xi32, #tpu.memory_space<hbm>>
        tpu.wait_dma2 semaphore(%run_scoped3A : memref<!tpu.dma_semaphore, #tpu.memory_space<semaphore_mem>>) src(%dma_wait3A_142 : memref<80xi32, #tpu.memory_space<hbm>>) dst(%arg18 : memref<80xi32, #tpu.memory_space<vmem>>)
        tpu.yield
      }) : () -> ()
      %dma_start3A_43 = arith.constant 0 : i32
      %dma_start3A_44 = arith.constant 0 : i32
      %dma_start3A_45 = tpu.memref_slice %arg2[%dma_start3A_43, %dma_start3A_44] : memref<5000x128xf32, #tpu.memory_space<hbm>> -> memref<5000x128xf32, #tpu.memory_space<hbm>>
      tpu.enqueue_indirect_dma source(%dma_start3A_45 : memref<5000x128xf32, #tpu.memory_space<hbm>>) target(%arg23 : memref<80x128xf32, #tpu.memory_space<vmem>>) offsets(%arg13 : memref<80xi32, #tpu.memory_space<vmem>>) semaphore(%arg30 : memref<!tpu.dma_semaphore, #tpu.memory_space<semaphore_mem>>)
      %dma_wait3A = arith.constant 0 : i32
      %dma_wait3A_46 = arith.constant 0 : i32
      %dma_wait3A_47 = tpu.memref_slice %arg2[%dma_wait3A, %dma_wait3A_46] : memref<5000x128xf32, #tpu.memory_space<hbm>> -> memref<5000x128xf32, #tpu.memory_space<hbm>>
      tpu.wait_indirect_dma semaphore(%arg26 : memref<!tpu.dma_semaphore, #tpu.memory_space<semaphore_mem>>) src(%dma_wait3A_47 : memref<5000x128xf32, #tpu.memory_space<hbm>>) dst(%arg19 : memref<80x128xf32, #tpu.memory_space<vmem>>)
      %dma_start3A_48 = arith.constant 0 : i32
      %dma_start3A_49 = arith.constant 0 : i32
      %dma_start3A_50 = tpu.memref_slice %arg25[%dma_start3A_48, %dma_start3A_49] : memref<1024x128xf32, #tpu.memory_space<vmem_shared>> -> memref<1024x128xf32, #tpu.memory_space<vmem_shared>>
      tpu.enqueue_indirect_dma source(%arg19 : memref<80x128xf32, #tpu.memory_space<vmem>>) target(%dma_start3A_50 : memref<1024x128xf32, #tpu.memory_space<vmem_shared>>) offsets(%arg14 : memref<80xi32, #tpu.memory_space<vmem>>) semaphore(%arg31 : memref<!tpu.dma_semaphore, #tpu.memory_space<semaphore_mem>>) {add = true}
      %get3A = arith.constant 0 : index
      %get3A_51 = tpu.vector_load %arg14[%get3A] {strides = array<i32>} : memref<80xi32, #tpu.memory_space<vmem>>, vector<16xi32>,
      tpu.vector_store_idx %arg24[%get3A_51], %broadcast_in_dim3A_7 {add = true} : memref<1024xf32, #tpu.memory_space<vmem>>[vector<16xi32>], vector<16xf32>,
      %get3A_52 = arith.constant 16 : index
      %get3A_53 = tpu.vector_load %arg14[%get3A_52] {strides = array<i32>} : memref<80xi32, #tpu.memory_space<vmem>>, vector<16xi32>,
      tpu.vector_store_idx %arg24[%get3A_53], %broadcast_in_dim3A_7 {add = true} : memref<1024xf32, #tpu.memory_space<vmem>>[vector<16xi32>], vector<16xf32>,
      %get3A_54 = arith.constant 32 : index
      %get3A_55 = tpu.vector_load %arg14[%get3A_54] {strides = array<i32>} : memref<80xi32, #tpu.memory_space<vmem>>, vector<16xi32>,
      tpu.vector_store_idx %arg24[%get3A_55], %broadcast_in_dim3A_7 {add = true} : memref<1024xf32, #tpu.memory_space<vmem>>[vector<16xi32>], vector<16xf32>,
      %get3A_56 = arith.constant 48 : index
      %get3A_57 = tpu.vector_load %arg14[%get3A_56] {strides = array<i32>} : memref<80xi32, #tpu.memory_space<vmem>>, vector<16xi32>,
      tpu.vector_store_idx %arg24[%get3A_57], %broadcast_in_dim3A_7 {add = true} : memref<1024xf32, #tpu.memory_space<vmem>>[vector<16xi32>], vector<16xf32>,
      %get3A_58 = arith.constant 64 : index
      %get3A_59 = tpu.vector_load %arg14[%get3A_58] {strides = array<i32>} : memref<80xi32, #tpu.memory_space<vmem>>, vector<16xi32>,
      tpu.vector_store_idx %arg24[%get3A_59], %broadcast_in_dim3A_7 {add = true} : memref<1024xf32, #tpu.memory_space<vmem>>[vector<16xi32>], vector<16xf32>,
      %dma_wait3A_60 = arith.constant 0 : i32
      %dma_wait3A_61 = arith.constant 0 : i32
      %dma_wait3A_62 = tpu.memref_slice %arg2[%dma_wait3A_60, %dma_wait3A_61] : memref<5000x128xf32, #tpu.memory_space<hbm>> -> memref<5000x128xf32, #tpu.memory_space<hbm>>
      tpu.wait_indirect_dma semaphore(%arg27 : memref<!tpu.dma_semaphore, #tpu.memory_space<semaphore_mem>>) src(%dma_wait3A_62 : memref<5000x128xf32, #tpu.memory_space<hbm>>) dst(%arg20 : memref<80x128xf32, #tpu.memory_space<vmem>>)
      %dma_start3A_63 = arith.constant 0 : i32
      %dma_start3A_64 = arith.constant 0 : i32
      %dma_start3A_65 = tpu.memref_slice %arg25[%dma_start3A_63, %dma_start3A_64] : memref<1024x128xf32, #tpu.memory_space<vmem_shared>> -> memref<1024x128xf32, #tpu.memory_space<vmem_shared>>
      tpu.enqueue_indirect_dma source(%arg20 : memref<80x128xf32, #tpu.memory_space<vmem>>) target(%dma_start3A_65 : memref<1024x128xf32, #tpu.memory_space<vmem_shared>>) offsets(%arg15 : memref<80xi32, #tpu.memory_space<vmem>>) semaphore(%arg32 : memref<!tpu.dma_semaphore, #tpu.memory_space<semaphore_mem>>) {add = true}
      %get3A_66 = arith.constant 0 : index
      %get3A_67 = tpu.vector_load %arg15[%get3A_66] {strides = array<i32>} : memref<80xi32, #tpu.memory_space<vmem>>, vector<16xi32>,
      tpu.vector_store_idx %arg24[%get3A_67], %broadcast_in_dim3A_7 {add = true} : memref<1024xf32, #tpu.memory_space<vmem>>[vector<16xi32>], vector<16xf32>,
      %get3A_68 = arith.constant 16 : index
      %get3A_69 = tpu.vector_load %arg15[%get3A_68] {strides = array<i32>} : memref<80xi32, #tpu.memory_space<vmem>>, vector<16xi32>,
      tpu.vector_store_idx %arg24[%get3A_69], %broadcast_in_dim3A_7 {add = true} : memref<1024xf32, #tpu.memory_space<vmem>>[vector<16xi32>], vector<16xf32>,
      %get3A_70 = arith.constant 32 : index
      %get3A_71 = tpu.vector_load %arg15[%get3A_70] {strides = array<i32>} : memref<80xi32, #tpu.memory_space<vmem>>, vector<16xi32>,
      tpu.vector_store_idx %arg24[%get3A_71], %broadcast_in_dim3A_7 {add = true} : memref<1024xf32, #tpu.memory_space<vmem>>[vector<16xi32>], vector<16xf32>,
      %get3A_72 = arith.constant 48 : index
      %get3A_73 = tpu.vector_load %arg15[%get3A_72] {strides = array<i32>} : memref<80xi32, #tpu.memory_space<vmem>>, vector<16xi32>,
      tpu.vector_store_idx %arg24[%get3A_73], %broadcast_in_dim3A_7 {add = true} : memref<1024xf32, #tpu.memory_space<vmem>>[vector<16xi32>], vector<16xf32>,
      %get3A_74 = arith.constant 64 : index
      %get3A_75 = tpu.vector_load %arg15[%get3A_74] {strides = array<i32>} : memref<80xi32, #tpu.memory_space<vmem>>, vector<16xi32>,
      tpu.vector_store_idx %arg24[%get3A_75], %broadcast_in_dim3A_7 {add = true} : memref<1024xf32, #tpu.memory_space<vmem>>[vector<16xi32>], vector<16xf32>,
      %dma_wait3A_76 = arith.constant 0 : i32
      %dma_wait3A_77 = arith.constant 0 : i32
      %dma_wait3A_78 = tpu.memref_slice %arg2[%dma_wait3A_76, %dma_wait3A_77] : memref<5000x128xf32, #tpu.memory_space<hbm>> -> memref<5000x128xf32, #tpu.memory_space<hbm>>
      tpu.wait_indirect_dma semaphore(%arg28 : memref<!tpu.dma_semaphore, #tpu.memory_space<semaphore_mem>>) src(%dma_wait3A_78 : memref<5000x128xf32, #tpu.memory_space<hbm>>) dst(%arg21 : memref<80x128xf32, #tpu.memory_space<vmem>>)
      %dma_start3A_79 = arith.constant 0 : i32
      %dma_start3A_80 = arith.constant 0 : i32
      %dma_start3A_81 = tpu.memref_slice %arg25[%dma_start3A_79, %dma_start3A_80] : memref<1024x128xf32, #tpu.memory_space<vmem_shared>> -> memref<1024x128xf32, #tpu.memory_space<vmem_shared>>
      tpu.enqueue_indirect_dma source(%arg21 : memref<80x128xf32, #tpu.memory_space<vmem>>) target(%dma_start3A_81 : memref<1024x128xf32, #tpu.memory_space<vmem_shared>>) offsets(%arg16 : memref<80xi32, #tpu.memory_space<vmem>>) semaphore(%arg33 : memref<!tpu.dma_semaphore, #tpu.memory_space<semaphore_mem>>) {add = true}
      %get3A_82 = arith.constant 0 : index
      %get3A_83 = tpu.vector_load %arg16[%get3A_82] {strides = array<i32>} : memref<80xi32, #tpu.memory_space<vmem>>, vector<16xi32>,
      tpu.vector_store_idx %arg24[%get3A_83], %broadcast_in_dim3A_7 {add = true} : memref<1024xf32, #tpu.memory_space<vmem>>[vector<16xi32>], vector<16xf32>,
      %get3A_84 = arith.constant 16 : index
      %get3A_85 = tpu.vector_load %arg16[%get3A_84] {strides = array<i32>} : memref<80xi32, #tpu.memory_space<vmem>>, vector<16xi32>,
      tpu.vector_store_idx %arg24[%get3A_85], %broadcast_in_dim3A_7 {add = true} : memref<1024xf32, #tpu.memory_space<vmem>>[vector<16xi32>], vector<16xf32>,
      %get3A_86 = arith.constant 32 : index
      %get3A_87 = tpu.vector_load %arg16[%get3A_86] {strides = array<i32>} : memref<80xi32, #tpu.memory_space<vmem>>, vector<16xi32>,
      tpu.vector_store_idx %arg24[%get3A_87], %broadcast_in_dim3A_7 {add = true} : memref<1024xf32, #tpu.memory_space<vmem>>[vector<16xi32>], vector<16xf32>,
      %get3A_88 = arith.constant 48 : index
      %get3A_89 = tpu.vector_load %arg16[%get3A_88] {strides = array<i32>} : memref<80xi32, #tpu.memory_space<vmem>>, vector<16xi32>,
      tpu.vector_store_idx %arg24[%get3A_89], %broadcast_in_dim3A_7 {add = true} : memref<1024xf32, #tpu.memory_space<vmem>>[vector<16xi32>], vector<16xf32>,
      %get3A_90 = arith.constant 64 : index
      %get3A_91 = tpu.vector_load %arg16[%get3A_90] {strides = array<i32>} : memref<80xi32, #tpu.memory_space<vmem>>, vector<16xi32>,
      tpu.vector_store_idx %arg24[%get3A_91], %broadcast_in_dim3A_7 {add = true} : memref<1024xf32, #tpu.memory_space<vmem>>[vector<16xi32>], vector<16xf32>,
      %dma_wait3A_92 = arith.constant 0 : i32
      %dma_wait3A_93 = arith.constant 0 : i32
      %dma_wait3A_94 = tpu.memref_slice %arg2[%dma_wait3A_92, %dma_wait3A_93] : memref<5000x128xf32, #tpu.memory_space<hbm>> -> memref<5000x128xf32, #tpu.memory_space<hbm>>
      tpu.wait_indirect_dma semaphore(%arg29 : memref<!tpu.dma_semaphore, #tpu.memory_space<semaphore_mem>>) src(%dma_wait3A_94 : memref<5000x128xf32, #tpu.memory_space<hbm>>) dst(%arg22 : memref<80x128xf32, #tpu.memory_space<vmem>>)
      %dma_start3A_95 = arith.constant 0 : i32
      %dma_start3A_96 = arith.constant 0 : i32
      %dma_start3A_97 = tpu.memref_slice %arg25[%dma_start3A_95, %dma_start3A_96] : memref<1024x128xf32, #tpu.memory_space<vmem_shared>> -> memref<1024x128xf32, #tpu.memory_space<vmem_shared>>
      tpu.enqueue_indirect_dma source(%arg22 : memref<80x128xf32, #tpu.memory_space<vmem>>) target(%dma_start3A_97 : memref<1024x128xf32, #tpu.memory_space<vmem_shared>>) offsets(%arg17 : memref<80xi32, #tpu.memory_space<vmem>>) semaphore(%arg34 : memref<!tpu.dma_semaphore, #tpu.memory_space<semaphore_mem>>) {add = true}
      %get3A_98 = arith.constant 0 : index
      %get3A_99 = tpu.vector_load %arg17[%get3A_98] {strides = array<i32>} : memref<80xi32, #tpu.memory_space<vmem>>, vector<16xi32>,
      tpu.vector_store_idx %arg24[%get3A_99], %broadcast_in_dim3A_7 {add = true} : memref<1024xf32, #tpu.memory_space<vmem>>[vector<16xi32>], vector<16xf32>,
      %get3A_100 = arith.constant 16 : index
      %get3A_101 = tpu.vector_load %arg17[%get3A_100] {strides = array<i32>} : memref<80xi32, #tpu.memory_space<vmem>>, vector<16xi32>,
      tpu.vector_store_idx %arg24[%get3A_101], %broadcast_in_dim3A_7 {add = true} : memref<1024xf32, #tpu.memory_space<vmem>>[vector<16xi32>], vector<16xf32>,
      %get3A_102 = arith.constant 32 : index
      %get3A_103 = tpu.vector_load %arg17[%get3A_102] {strides = array<i32>} : memref<80xi32, #tpu.memory_space<vmem>>, vector<16xi32>,
      tpu.vector_store_idx %arg24[%get3A_103], %broadcast_in_dim3A_7 {add = true} : memref<1024xf32, #tpu.memory_space<vmem>>[vector<16xi32>], vector<16xf32>,
      %get3A_104 = arith.constant 48 : index
      %get3A_105 = tpu.vector_load %arg17[%get3A_104] {strides = array<i32>} : memref<80xi32, #tpu.memory_space<vmem>>, vector<16xi32>,
      tpu.vector_store_idx %arg24[%get3A_105], %broadcast_in_dim3A_7 {add = true} : memref<1024xf32, #tpu.memory_space<vmem>>[vector<16xi32>], vector<16xf32>,
      %get3A_106 = arith.constant 64 : index
      %get3A_107 = tpu.vector_load %arg17[%get3A_106] {strides = array<i32>} : memref<80xi32, #tpu.memory_space<vmem>>, vector<16xi32>,
      tpu.vector_store_idx %arg24[%get3A_107], %broadcast_in_dim3A_7 {add = true} : memref<1024xf32, #tpu.memory_space<vmem>>[vector<16xi32>], vector<16xf32>,
      %dma_wait3A_108 = arith.constant 0 : i32
      %dma_wait3A_109 = arith.constant 0 : i32
      %dma_wait3A_110 = tpu.memref_slice %arg2[%dma_wait3A_108, %dma_wait3A_109] : memref<5000x128xf32, #tpu.memory_space<hbm>> -> memref<5000x128xf32, #tpu.memory_space<hbm>>
      tpu.wait_indirect_dma semaphore(%arg30 : memref<!tpu.dma_semaphore, #tpu.memory_space<semaphore_mem>>) src(%dma_wait3A_110 : memref<5000x128xf32, #tpu.memory_space<hbm>>) dst(%arg23 : memref<80x128xf32, #tpu.memory_space<vmem>>)
      %dma_start3A_111 = arith.constant 0 : i32
      %dma_start3A_112 = arith.constant 0 : i32
      %dma_start3A_113 = tpu.memref_slice %arg25[%dma_start3A_111, %dma_start3A_112] : memref<1024x128xf32, #tpu.memory_space<vmem_shared>> -> memref<1024x128xf32, #tpu.memory_space<vmem_shared>>
      tpu.enqueue_indirect_dma source(%arg23 : memref<80x128xf32, #tpu.memory_space<vmem>>) target(%dma_start3A_113 : memref<1024x128xf32, #tpu.memory_space<vmem_shared>>) offsets(%arg18 : memref<80xi32, #tpu.memory_space<vmem>>) semaphore(%arg35 : memref<!tpu.dma_semaphore, #tpu.memory_space<semaphore_mem>>) {add = true}
      %get3A_114 = arith.constant 0 : index
      %get3A_115 = tpu.vector_load %arg18[%get3A_114] {strides = array<i32>} : memref<80xi32, #tpu.memory_space<vmem>>, vector<16xi32>,
      tpu.vector_store_idx %arg24[%get3A_115], %broadcast_in_dim3A_7 {add = true} : memref<1024xf32, #tpu.memory_space<vmem>>[vector<16xi32>], vector<16xf32>,
      %get3A_116 = arith.constant 16 : index
      %get3A_117 = tpu.vector_load %arg18[%get3A_116] {strides = array<i32>} : memref<80xi32, #tpu.memory_space<vmem>>, vector<16xi32>,
      tpu.vector_store_idx %arg24[%get3A_117], %broadcast_in_dim3A_7 {add = true} : memref<1024xf32, #tpu.memory_space<vmem>>[vector<16xi32>], vector<16xf32>,
      %get3A_118 = arith.constant 32 : index
      %get3A_119 = tpu.vector_load %arg18[%get3A_118] {strides = array<i32>} : memref<80xi32, #tpu.memory_space<vmem>>, vector<16xi32>,
      tpu.vector_store_idx %arg24[%get3A_119], %broadcast_in_dim3A_7 {add = true} : memref<1024xf32, #tpu.memory_space<vmem>>[vector<16xi32>], vector<16xf32>,
      %get3A_120 = arith.constant 48 : index
      %get3A_121 = tpu.vector_load %arg18[%get3A_120] {strides = array<i32>} : memref<80xi32, #tpu.memory_space<vmem>>, vector<16xi32>,
      tpu.vector_store_idx %arg24[%get3A_121], %broadcast_in_dim3A_7 {add = true} : memref<1024xf32, #tpu.memory_space<vmem>>[vector<16xi32>], vector<16xf32>,
      %get3A_122 = arith.constant 64 : index
      %get3A_123 = tpu.vector_load %arg18[%get3A_122] {strides = array<i32>} : memref<80xi32, #tpu.memory_space<vmem>>, vector<16xi32>,
      tpu.vector_store_idx %arg24[%get3A_123], %broadcast_in_dim3A_7 {add = true} : memref<1024xf32, #tpu.memory_space<vmem>>[vector<16xi32>], vector<16xf32>,
      %dma_wait3A_124 = arith.constant 0 : i32
      %dma_wait3A_125 = arith.constant 0 : i32
      %dma_wait3A_126 = tpu.memref_slice %arg25[%dma_wait3A_124, %dma_wait3A_125] : memref<1024x128xf32, #tpu.memory_space<vmem_shared>> -> memref<1024x128xf32, #tpu.memory_space<vmem_shared>>
      tpu.wait_indirect_dma semaphore(%arg31 : memref<!tpu.dma_semaphore, #tpu.memory_space<semaphore_mem>>) src(%arg19 : memref<80x128xf32, #tpu.memory_space<vmem>>) dst(%dma_wait3A_126 : memref<1024x128xf32, #tpu.memory_space<vmem_shared>>)
      %dma_wait3A_127 = arith.constant 0 : i32
      %dma_wait3A_128 = arith.constant 0 : i32
      %dma_wait3A_129 = tpu.memref_slice %arg25[%dma_wait3A_127, %dma_wait3A_128] : memref<1024x128xf32, #tpu.memory_space<vmem_shared>> -> memref<1024x128xf32, #tpu.memory_space<vmem_shared>>
      tpu.wait_indirect_dma semaphore(%arg32 : memref<!tpu.dma_semaphore, #tpu.memory_space<semaphore_mem>>) src(%arg20 : memref<80x128xf32, #tpu.memory_space<vmem>>) dst(%dma_wait3A_129 : memref<1024x128xf32, #tpu.memory_space<vmem_shared>>)
      %dma_wait3A_130 = arith.constant 0 : i32
      %dma_wait3A_131 = arith.constant 0 : i32
      %dma_wait3A_132 = tpu.memref_slice %arg25[%dma_wait3A_130, %dma_wait3A_131] : memref<1024x128xf32, #tpu.memory_space<vmem_shared>> -> memref<1024x128xf32, #tpu.memory_space<vmem_shared>>
      tpu.wait_indirect_dma semaphore(%arg33 : memref<!tpu.dma_semaphore, #tpu.memory_space<semaphore_mem>>) src(%arg21 : memref<80x128xf32, #tpu.memory_space<vmem>>) dst(%dma_wait3A_132 : memref<1024x128xf32, #tpu.memory_space<vmem_shared>>)
      %dma_wait3A_133 = arith.constant 0 : i32
      %dma_wait3A_134 = arith.constant 0 : i32
      %dma_wait3A_135 = tpu.memref_slice %arg25[%dma_wait3A_133, %dma_wait3A_134] : memref<1024x128xf32, #tpu.memory_space<vmem_shared>> -> memref<1024x128xf32, #tpu.memory_space<vmem_shared>>
      tpu.wait_indirect_dma semaphore(%arg34 : memref<!tpu.dma_semaphore, #tpu.memory_space<semaphore_mem>>) src(%arg22 : memref<80x128xf32, #tpu.memory_space<vmem>>) dst(%dma_wait3A_135 : memref<1024x128xf32, #tpu.memory_space<vmem_shared>>)
      %dma_wait3A_136 = arith.constant 0 : i32
      %dma_wait3A_137 = arith.constant 0 : i32
      %dma_wait3A_138 = tpu.memref_slice %arg25[%dma_wait3A_136, %dma_wait3A_137] : memref<1024x128xf32, #tpu.memory_space<vmem_shared>> -> memref<1024x128xf32, #tpu.memory_space<vmem_shared>>
      tpu.wait_indirect_dma semaphore(%arg35 : memref<!tpu.dma_semaphore, #tpu.memory_space<semaphore_mem>>) src(%arg23 : memref<80x128xf32, #tpu.memory_space<vmem>>) dst(%dma_wait3A_138 : memref<1024x128xf32, #tpu.memory_space<vmem_shared>>)
    }
    %scan3A_12 = arith.constant 5 : i32
    %barrier3A_13 = arith.constant 0 : index
    tpu.barrier barrier_id(%barrier3A_13)
    %mul3A_14 = arith.constant 64 : i32
    %mul3A_15 = arith.muli %arg1, %mul3A_14 : i32
    %mul3A_16 = arith.constant 64 : i32
    %mul3A_17 = arith.muli %arg1, %mul3A_16 : i32
    "tpu.region"() ({
      %run_scoped3A = tpu.sem_alloc : memref<!tpu.dma_semaphore, #tpu.memory_space<semaphore_mem>>
      %dma_start3A = arith.constant 0 : i32
      %dma_start3A_18 = tpu.memref_slice %arg7[%arg0, %mul3A_17, %dma_start3A] : memref<2x1024x128xf32, #tpu.memory_space<hbm>> -> memref<1x64x128xf32, #tpu.memory_space<hbm>>
      %dma_start3A_19 = tpu.memref_squeeze %dma_start3A_18 : memref<1x64x128xf32, #tpu.memory_space<hbm>> -> memref<64x128xf32, #tpu.memory_space<hbm>>
      %dma_start3A_20 = arith.constant 0 : i32
      %dma_start3A_21 = tpu.memref_slice %arg25[%mul3A_15, %dma_start3A_20] : memref<1024x128xf32, #tpu.memory_space<vmem_shared>> -> memref<64x128xf32, #tpu.memory_space<vmem_shared>>
      tpu.enqueue_dma source(%dma_start3A_21 : memref<64x128xf32, #tpu.memory_space<vmem_shared>>) target(%dma_start3A_19 : memref<64x128xf32, #tpu.memory_space<hbm>>) target_semaphore(%run_scoped3A : memref<!tpu.dma_semaphore, #tpu.memory_space<semaphore_mem>>)
      %dma_wait3A = arith.constant 0 : i32
      %dma_wait3A_22 = tpu.memref_slice %arg7[%arg0, %mul3A_17, %dma_wait3A] : memref<2x1024x128xf32, #tpu.memory_space<hbm>> -> memref<1x64x128xf32, #tpu.memory_space<hbm>>
      %dma_wait3A_23 = tpu.memref_squeeze %dma_wait3A_22 : memref<1x64x128xf32, #tpu.memory_space<hbm>> -> memref<64x128xf32, #tpu.memory_space<hbm>>
      %dma_wait3A_24 = arith.constant 0 : i32
      %dma_wait3A_25 = tpu.memref_slice %arg25[%mul3A_15, %dma_wait3A_24] : memref<1024x128xf32, #tpu.memory_space<vmem_shared>> -> memref<64x128xf32, #tpu.memory_space<vmem_shared>>
      tpu.wait_dma2 semaphore(%run_scoped3A : memref<!tpu.dma_semaphore, #tpu.memory_space<semaphore_mem>>) src(%dma_wait3A_25 : memref<64x128xf32, #tpu.memory_space<vmem_shared>>) dst(%dma_wait3A_23 : memref<64x128xf32, #tpu.memory_space<hbm>>)
      tpu.yield
    }) : () -> ()
    "tpu.region"() ({
      %run_scoped3A = tpu.sem_alloc : memref<!tpu.dma_semaphore, #tpu.memory_space<semaphore_mem>>
      %dma_start3A = arith.constant 0 : i32
      %dma_start3A_18 = tpu.memref_slice %arg8[%add3A, %dma_start3A] : memref<32x1024xf32, #tpu.memory_space<hbm>> -> memref<1x1024xf32, #tpu.memory_space<hbm>>
      %dma_start3A_19 = tpu.memref_squeeze %dma_start3A_18 : memref<1x1024xf32, #tpu.memory_space<hbm>> -> memref<1024xf32, #tpu.memory_space<hbm>>
      %dma_start3A_20 = arith.constant 0 : i32
      %dma_start3A_21 = tpu.memref_slice %arg8[%add3A, %dma_start3A_20] : memref<32x1024xf32, #tpu.memory_space<hbm>> -> memref<1x1024xf32, #tpu.memory_space<hbm>>
      %dma_start3A_22 = tpu.memref_squeeze %dma_start3A_21 : memref<1x1024xf32, #tpu.memory_space<hbm>> -> memref<1024xf32, #tpu.memory_space<hbm>>
      tpu.enqueue_dma source(%arg24 : memref<1024xf32, #tpu.memory_space<vmem>>) target(%dma_start3A_22 : memref<1024xf32, #tpu.memory_space<hbm>>) target_semaphore(%run_scoped3A : memref<!tpu.dma_semaphore, #tpu.memory_space<semaphore_mem>>)
      %dma_wait3A = arith.constant 0 : i32
      %dma_wait3A_23 = tpu.memref_slice %arg8[%add3A, %dma_wait3A] : memref<32x1024xf32, #tpu.memory_space<hbm>> -> memref<1x1024xf32, #tpu.memory_space<hbm>>
      %dma_wait3A_24 = tpu.memref_squeeze %dma_wait3A_23 : memref<1x1024xf32, #tpu.memory_space<hbm>> -> memref<1024xf32, #tpu.memory_space<hbm>>
      %dma_wait3A_25 = arith.constant 0 : i32
      %dma_wait3A_26 = tpu.memref_slice %arg8[%add3A, %dma_wait3A_25] : memref<32x1024xf32, #tpu.memory_space<hbm>> -> memref<1x1024xf32, #tpu.memory_space<hbm>>
      %dma_wait3A_27 = tpu.memref_squeeze %dma_wait3A_26 : memref<1x1024xf32, #tpu.memory_space<hbm>> -> memref<1024xf32, #tpu.memory_space<hbm>>
      tpu.wait_dma2 semaphore(%run_scoped3A : memref<!tpu.dma_semaphore, #tpu.memory_space<semaphore_mem>>) src(%arg24 : memref<1024xf32, #tpu.memory_space<vmem>>) dst(%dma_wait3A_27 : memref<1024xf32, #tpu.memory_space<hbm>>)
      tpu.yield
    }) : () -> ()
    return
  }
}

#map = affine_map<(d0, d1) -> (0, 0)>
#map1 = affine_map<(d0, d1) -> (0)>
#map2 = affine_map<(d0, d1) -> (0, 0, 0)>
module attributes {stable_mosaic.version = 14 : i64} {
  func.func @agg_kernel(%arg0: i32, %arg1: i32, %arg2: memref<10000x128xf32, #tpu.memory_space<hbm>>, %arg3: memref<320000xi32, #tpu.memory_space<hbm>>, %arg4: memref<320000xi32, #tpu.memory_space<hbm>>, %arg5: memref<5120x128xf32, #tpu.memory_space<hbm>>, %arg6: memref<5120xf32, #tpu.memory_space<hbm>>, %arg7: memref<2x5120x128xf32, #tpu.memory_space<hbm>>, %arg8: memref<32x5120xf32, #tpu.memory_space<hbm>>, %arg9: memref<80xi32, #tpu.memory_space<vmem>>, %arg10: memref<80xi32, #tpu.memory_space<vmem>>, %arg11: memref<80xi32, #tpu.memory_space<vmem>>, %arg12: memref<80xi32, #tpu.memory_space<vmem>>, %arg13: memref<80xi32, #tpu.memory_space<vmem>>, %arg14: memref<80xi32, #tpu.memory_space<vmem>>, %arg15: memref<80xi32, #tpu.memory_space<vmem>>, %arg16: memref<80xi32, #tpu.memory_space<vmem>>, %arg17: memref<80xi32, #tpu.memory_space<vmem>>, %arg18: memref<80xi32, #tpu.memory_space<vmem>>, %arg19: memref<80x128xf32, #tpu.memory_space<vmem>>, %arg20: memref<80x128xf32, #tpu.memory_space<vmem>>, %arg21: memref<80x128xf32, #tpu.memory_space<vmem>>, %arg22: memref<80x128xf32, #tpu.memory_space<vmem>>, %arg23: memref<80x128xf32, #tpu.memory_space<vmem>>, %arg24: memref<5120xf32, #tpu.memory_space<vmem>>, %arg25: memref<5120x128xf32, #tpu.memory_space<vmem_shared>>, %arg26: memref<!tpu.dma_semaphore, #tpu.memory_space<semaphore_mem>>, %arg27: memref<!tpu.dma_semaphore, #tpu.memory_space<semaphore_mem>>, %arg28: memref<!tpu.dma_semaphore, #tpu.memory_space<semaphore_mem>>, %arg29: memref<!tpu.dma_semaphore, #tpu.memory_space<semaphore_mem>>, %arg30: memref<!tpu.dma_semaphore, #tpu.memory_space<semaphore_mem>>, %arg31: memref<!tpu.dma_semaphore, #tpu.memory_space<semaphore_mem>>, %arg32: memref<!tpu.dma_semaphore, #tpu.memory_space<semaphore_mem>>, %arg33: memref<!tpu.dma_semaphore, #tpu.memory_space<semaphore_mem>>, %arg34: memref<!tpu.dma_semaphore, #tpu.memory_space<semaphore_mem>>, %arg35: memref<!tpu.dma_semaphore, #tpu.memory_space<semaphore_mem>>) attributes {dimension_semantics = [#tpu.dimension_semantics<core_parallel>, #tpu.dimension_semantics<subcore_parallel>], iteration_bounds = array<i64: 2, 16>, scalar_prefetch = 0 : i64, scratch_operands = 27 : i64, tpu.core_type = #tpu.core_type<sc_vector_subcore>, window_params = [{transform_indices = #map}, {transform_indices = #map1}, {transform_indices = #map1}, {transform_indices = #map}, {transform_indices = #map1}, {transform_indices = #map2}, {transform_indices = #map}]} {
    %mul3A = arith.constant 2 : i32
    %mul3A_0 = arith.muli %arg1, %mul3A : i32
    %add3A = arith.addi %mul3A_0, %arg0 : i32
    %mul3A_1 = arith.constant 320 : i32
    %mul3A_2 = arith.muli %arg1, %mul3A_1 : i32
    %mul3A_3 = arith.constant 320 : i32
    %mul3A_4 = arith.muli %arg1, %mul3A_3 : i32
    "tpu.region"() ({
      %run_scoped3A = tpu.sem_alloc : memref<!tpu.dma_semaphore, #tpu.memory_space<semaphore_mem>>
      %dma_start3A = arith.constant 0 : i32
      %dma_start3A_18 = tpu.memref_slice %arg25[%mul3A_4, %dma_start3A] : memref<5120x128xf32, #tpu.memory_space<vmem_shared>> -> memref<320x128xf32, #tpu.memory_space<vmem_shared>>
      %dma_start3A_19 = arith.constant 0 : i32
      %dma_start3A_20 = tpu.memref_slice %arg5[%mul3A_2, %dma_start3A_19] : memref<5120x128xf32, #tpu.memory_space<hbm>> -> memref<320x128xf32, #tpu.memory_space<hbm>>
      tpu.enqueue_dma source(%dma_start3A_20 : memref<320x128xf32, #tpu.memory_space<hbm>>) target(%dma_start3A_18 : memref<320x128xf32, #tpu.memory_space<vmem_shared>>) target_semaphore(%run_scoped3A : memref<!tpu.dma_semaphore, #tpu.memory_space<semaphore_mem>>)
      %dma_wait3A = arith.constant 0 : i32
      %dma_wait3A_21 = tpu.memref_slice %arg25[%mul3A_4, %dma_wait3A] : memref<5120x128xf32, #tpu.memory_space<vmem_shared>> -> memref<320x128xf32, #tpu.memory_space<vmem_shared>>
      %dma_wait3A_22 = arith.constant 0 : i32
      %dma_wait3A_23 = tpu.memref_slice %arg5[%mul3A_2, %dma_wait3A_22] : memref<5120x128xf32, #tpu.memory_space<hbm>> -> memref<320x128xf32, #tpu.memory_space<hbm>>
      tpu.wait_dma2 semaphore(%run_scoped3A : memref<!tpu.dma_semaphore, #tpu.memory_space<semaphore_mem>>) src(%dma_wait3A_23 : memref<320x128xf32, #tpu.memory_space<hbm>>) dst(%dma_wait3A_21 : memref<320x128xf32, #tpu.memory_space<vmem_shared>>)
      tpu.yield
    }) : () -> ()
    "tpu.region"() ({
      %run_scoped3A = tpu.sem_alloc : memref<!tpu.dma_semaphore, #tpu.memory_space<semaphore_mem>>
      tpu.enqueue_dma source(%arg6 : memref<5120xf32, #tpu.memory_space<hbm>>) target(%arg24 : memref<5120xf32, #tpu.memory_space<vmem>>) target_semaphore(%run_scoped3A : memref<!tpu.dma_semaphore, #tpu.memory_space<semaphore_mem>>)
      tpu.wait_dma2 semaphore(%run_scoped3A : memref<!tpu.dma_semaphore, #tpu.memory_space<semaphore_mem>>) src(%arg6 : memref<5120xf32, #tpu.memory_space<hbm>>) dst(%arg24 : memref<5120xf32, #tpu.memory_space<vmem>>)
      tpu.yield
    }) : () -> ()
    %barrier3A = arith.constant 0 : index
    tpu.barrier barrier_id(%barrier3A)
    %mul3A_5 = arith.constant 10000 : i32
    %mul3A_6 = arith.muli %add3A, %mul3A_5 : i32
    %broadcast_in_dim3A = arith.constant 1.000000e+00 : f32
    %broadcast_in_dim3A_7 = vector.broadcast %broadcast_in_dim3A : f32 to vector<16xf32>
    %scan3A = arith.constant 0 : i32
    %scan3A_8 = arith.constant 0 : i32
    %scan3A_9 = arith.constant 25 : i32
    %scan3A_10 = arith.addi %scan3A_8, %scan3A_9 : i32
    %scan3A_11 = arith.constant 1 : i32
    scf.for %scan3A_18 = %scan3A_8 to %scan3A_10 step %scan3A_11  : i32 {
      %mul3A_19 = arith.constant 400 : i32
      %mul3A_20 = arith.muli %scan3A_18, %mul3A_19 : i32
      %add3A_21 = arith.addi %mul3A_6, %mul3A_20 : i32
      %add3A_22 = arith.constant 0 : i32
      %add3A_23 = arith.addi %add3A_21, %add3A_22 : i32
      "tpu.region"() ({
        %run_scoped3A = tpu.sem_alloc : memref<!tpu.dma_semaphore, #tpu.memory_space<semaphore_mem>>
        %dma_start3A_139 = tpu.memref_slice %arg3[%add3A_23] : memref<320000xi32, #tpu.memory_space<hbm>> -> memref<80xi32, #tpu.memory_space<hbm>>
        %dma_start3A_140 = tpu.memref_slice %arg3[%add3A_23] : memref<320000xi32, #tpu.memory_space<hbm>> -> memref<80xi32, #tpu.memory_space<hbm>>
        tpu.enqueue_dma source(%dma_start3A_140 : memref<80xi32, #tpu.memory_space<hbm>>) target(%arg9 : memref<80xi32, #tpu.memory_space<vmem>>) target_semaphore(%run_scoped3A : memref<!tpu.dma_semaphore, #tpu.memory_space<semaphore_mem>>)
        %dma_wait3A_141 = tpu.memref_slice %arg3[%add3A_23] : memref<320000xi32, #tpu.memory_space<hbm>> -> memref<80xi32, #tpu.memory_space<hbm>>
        %dma_wait3A_142 = tpu.memref_slice %arg3[%add3A_23] : memref<320000xi32, #tpu.memory_space<hbm>> -> memref<80xi32, #tpu.memory_space<hbm>>
        tpu.wait_dma2 semaphore(%run_scoped3A : memref<!tpu.dma_semaphore, #tpu.memory_space<semaphore_mem>>) src(%dma_wait3A_142 : memref<80xi32, #tpu.memory_space<hbm>>) dst(%arg9 : memref<80xi32, #tpu.memory_space<vmem>>)
        tpu.yield
      }) : () -> ()
      "tpu.region"() ({
        %run_scoped3A = tpu.sem_alloc : memref<!tpu.dma_semaphore, #tpu.memory_space<semaphore_mem>>
        %dma_start3A_139 = tpu.memref_slice %arg4[%add3A_23] : memref<320000xi32, #tpu.memory_space<hbm>> -> memref<80xi32, #tpu.memory_space<hbm>>
        %dma_start3A_140 = tpu.memref_slice %arg4[%add3A_23] : memref<320000xi32, #tpu.memory_space<hbm>> -> memref<80xi32, #tpu.memory_space<hbm>>
        tpu.enqueue_dma source(%dma_start3A_140 : memref<80xi32, #tpu.memory_space<hbm>>) target(%arg14 : memref<80xi32, #tpu.memory_space<vmem>>) target_semaphore(%run_scoped3A : memref<!tpu.dma_semaphore, #tpu.memory_space<semaphore_mem>>)
        %dma_wait3A_141 = tpu.memref_slice %arg4[%add3A_23] : memref<320000xi32, #tpu.memory_space<hbm>> -> memref<80xi32, #tpu.memory_space<hbm>>
        %dma_wait3A_142 = tpu.memref_slice %arg4[%add3A_23] : memref<320000xi32, #tpu.memory_space<hbm>> -> memref<80xi32, #tpu.memory_space<hbm>>
        tpu.wait_dma2 semaphore(%run_scoped3A : memref<!tpu.dma_semaphore, #tpu.memory_space<semaphore_mem>>) src(%dma_wait3A_142 : memref<80xi32, #tpu.memory_space<hbm>>) dst(%arg14 : memref<80xi32, #tpu.memory_space<vmem>>)
        tpu.yield
      }) : () -> ()
      %dma_start3A = arith.constant 0 : i32
      %dma_start3A_24 = arith.constant 0 : i32
      %dma_start3A_25 = tpu.memref_slice %arg2[%dma_start3A, %dma_start3A_24] : memref<10000x128xf32, #tpu.memory_space<hbm>> -> memref<10000x128xf32, #tpu.memory_space<hbm>>
      tpu.enqueue_indirect_dma source(%dma_start3A_25 : memref<10000x128xf32, #tpu.memory_space<hbm>>) target(%arg19 : memref<80x128xf32, #tpu.memory_space<vmem>>) offsets(%arg9 : memref<80xi32, #tpu.memory_space<vmem>>) semaphore(%arg26 : memref<!tpu.dma_semaphore, #tpu.memory_space<semaphore_mem>>)
      %add3A_26 = arith.constant 80 : i32
      %add3A_27 = arith.addi %add3A_21, %add3A_26 : i32
      "tpu.region"() ({
        %run_scoped3A = tpu.sem_alloc : memref<!tpu.dma_semaphore, #tpu.memory_space<semaphore_mem>>
        %dma_start3A_139 = tpu.memref_slice %arg3[%add3A_27] : memref<320000xi32, #tpu.memory_space<hbm>> -> memref<80xi32, #tpu.memory_space<hbm>>
        %dma_start3A_140 = tpu.memref_slice %arg3[%add3A_27] : memref<320000xi32, #tpu.memory_space<hbm>> -> memref<80xi32, #tpu.memory_space<hbm>>
        tpu.enqueue_dma source(%dma_start3A_140 : memref<80xi32, #tpu.memory_space<hbm>>) target(%arg10 : memref<80xi32, #tpu.memory_space<vmem>>) target_semaphore(%run_scoped3A : memref<!tpu.dma_semaphore, #tpu.memory_space<semaphore_mem>>)
        %dma_wait3A_141 = tpu.memref_slice %arg3[%add3A_27] : memref<320000xi32, #tpu.memory_space<hbm>> -> memref<80xi32, #tpu.memory_space<hbm>>
        %dma_wait3A_142 = tpu.memref_slice %arg3[%add3A_27] : memref<320000xi32, #tpu.memory_space<hbm>> -> memref<80xi32, #tpu.memory_space<hbm>>
        tpu.wait_dma2 semaphore(%run_scoped3A : memref<!tpu.dma_semaphore, #tpu.memory_space<semaphore_mem>>) src(%dma_wait3A_142 : memref<80xi32, #tpu.memory_space<hbm>>) dst(%arg10 : memref<80xi32, #tpu.memory_space<vmem>>)
        tpu.yield
      }) : () -> ()
      "tpu.region"() ({
        %run_scoped3A = tpu.sem_alloc : memref<!tpu.dma_semaphore, #tpu.memory_space<semaphore_mem>>
        %dma_start3A_139 = tpu.memref_slice %arg4[%add3A_27] : memref<320000xi32, #tpu.memory_space<hbm>> -> memref<80xi32, #tpu.memory_space<hbm>>
        %dma_start3A_140 = tpu.memref_slice %arg4[%add3A_27] : memref<320000xi32, #tpu.memory_space<hbm>> -> memref<80xi32, #tpu.memory_space<hbm>>
        tpu.enqueue_dma source(%dma_start3A_140 : memref<80xi32, #tpu.memory_space<hbm>>) target(%arg15 : memref<80xi32, #tpu.memory_space<vmem>>) target_semaphore(%run_scoped3A : memref<!tpu.dma_semaphore, #tpu.memory_space<semaphore_mem>>)
        %dma_wait3A_141 = tpu.memref_slice %arg4[%add3A_27] : memref<320000xi32, #tpu.memory_space<hbm>> -> memref<80xi32, #tpu.memory_space<hbm>>
        %dma_wait3A_142 = tpu.memref_slice %arg4[%add3A_27] : memref<320000xi32, #tpu.memory_space<hbm>> -> memref<80xi32, #tpu.memory_space<hbm>>
        tpu.wait_dma2 semaphore(%run_scoped3A : memref<!tpu.dma_semaphore, #tpu.memory_space<semaphore_mem>>) src(%dma_wait3A_142 : memref<80xi32, #tpu.memory_space<hbm>>) dst(%arg15 : memref<80xi32, #tpu.memory_space<vmem>>)
        tpu.yield
      }) : () -> ()
      %dma_start3A_28 = arith.constant 0 : i32
      %dma_start3A_29 = arith.constant 0 : i32
      %dma_start3A_30 = tpu.memref_slice %arg2[%dma_start3A_28, %dma_start3A_29] : memref<10000x128xf32, #tpu.memory_space<hbm>> -> memref<10000x128xf32, #tpu.memory_space<hbm>>
      tpu.enqueue_indirect_dma source(%dma_start3A_30 : memref<10000x128xf32, #tpu.memory_space<hbm>>) target(%arg20 : memref<80x128xf32, #tpu.memory_space<vmem>>) offsets(%arg10 : memref<80xi32, #tpu.memory_space<vmem>>) semaphore(%arg27 : memref<!tpu.dma_semaphore, #tpu.memory_space<semaphore_mem>>)
      %add3A_31 = arith.constant 160 : i32
      %add3A_32 = arith.addi %add3A_21, %add3A_31 : i32
      "tpu.region"() ({
        %run_scoped3A = tpu.sem_alloc : memref<!tpu.dma_semaphore, #tpu.memory_space<semaphore_mem>>
        %dma_start3A_139 = tpu.memref_slice %arg3[%add3A_32] : memref<320000xi32, #tpu.memory_space<hbm>> -> memref<80xi32, #tpu.memory_space<hbm>>
        %dma_start3A_140 = tpu.memref_slice %arg3[%add3A_32] : memref<320000xi32, #tpu.memory_space<hbm>> -> memref<80xi32, #tpu.memory_space<hbm>>
        tpu.enqueue_dma source(%dma_start3A_140 : memref<80xi32, #tpu.memory_space<hbm>>) target(%arg11 : memref<80xi32, #tpu.memory_space<vmem>>) target_semaphore(%run_scoped3A : memref<!tpu.dma_semaphore, #tpu.memory_space<semaphore_mem>>)
        %dma_wait3A_141 = tpu.memref_slice %arg3[%add3A_32] : memref<320000xi32, #tpu.memory_space<hbm>> -> memref<80xi32, #tpu.memory_space<hbm>>
        %dma_wait3A_142 = tpu.memref_slice %arg3[%add3A_32] : memref<320000xi32, #tpu.memory_space<hbm>> -> memref<80xi32, #tpu.memory_space<hbm>>
        tpu.wait_dma2 semaphore(%run_scoped3A : memref<!tpu.dma_semaphore, #tpu.memory_space<semaphore_mem>>) src(%dma_wait3A_142 : memref<80xi32, #tpu.memory_space<hbm>>) dst(%arg11 : memref<80xi32, #tpu.memory_space<vmem>>)
        tpu.yield
      }) : () -> ()
      "tpu.region"() ({
        %run_scoped3A = tpu.sem_alloc : memref<!tpu.dma_semaphore, #tpu.memory_space<semaphore_mem>>
        %dma_start3A_139 = tpu.memref_slice %arg4[%add3A_32] : memref<320000xi32, #tpu.memory_space<hbm>> -> memref<80xi32, #tpu.memory_space<hbm>>
        %dma_start3A_140 = tpu.memref_slice %arg4[%add3A_32] : memref<320000xi32, #tpu.memory_space<hbm>> -> memref<80xi32, #tpu.memory_space<hbm>>
        tpu.enqueue_dma source(%dma_start3A_140 : memref<80xi32, #tpu.memory_space<hbm>>) target(%arg16 : memref<80xi32, #tpu.memory_space<vmem>>) target_semaphore(%run_scoped3A : memref<!tpu.dma_semaphore, #tpu.memory_space<semaphore_mem>>)
        %dma_wait3A_141 = tpu.memref_slice %arg4[%add3A_32] : memref<320000xi32, #tpu.memory_space<hbm>> -> memref<80xi32, #tpu.memory_space<hbm>>
        %dma_wait3A_142 = tpu.memref_slice %arg4[%add3A_32] : memref<320000xi32, #tpu.memory_space<hbm>> -> memref<80xi32, #tpu.memory_space<hbm>>
        tpu.wait_dma2 semaphore(%run_scoped3A : memref<!tpu.dma_semaphore, #tpu.memory_space<semaphore_mem>>) src(%dma_wait3A_142 : memref<80xi32, #tpu.memory_space<hbm>>) dst(%arg16 : memref<80xi32, #tpu.memory_space<vmem>>)
        tpu.yield
      }) : () -> ()
      %dma_start3A_33 = arith.constant 0 : i32
      %dma_start3A_34 = arith.constant 0 : i32
      %dma_start3A_35 = tpu.memref_slice %arg2[%dma_start3A_33, %dma_start3A_34] : memref<10000x128xf32, #tpu.memory_space<hbm>> -> memref<10000x128xf32, #tpu.memory_space<hbm>>
      tpu.enqueue_indirect_dma source(%dma_start3A_35 : memref<10000x128xf32, #tpu.memory_space<hbm>>) target(%arg21 : memref<80x128xf32, #tpu.memory_space<vmem>>) offsets(%arg11 : memref<80xi32, #tpu.memory_space<vmem>>) semaphore(%arg28 : memref<!tpu.dma_semaphore, #tpu.memory_space<semaphore_mem>>)
      %add3A_36 = arith.constant 240 : i32
      %add3A_37 = arith.addi %add3A_21, %add3A_36 : i32
      "tpu.region"() ({
        %run_scoped3A = tpu.sem_alloc : memref<!tpu.dma_semaphore, #tpu.memory_space<semaphore_mem>>
        %dma_start3A_139 = tpu.memref_slice %arg3[%add3A_37] : memref<320000xi32, #tpu.memory_space<hbm>> -> memref<80xi32, #tpu.memory_space<hbm>>
        %dma_start3A_140 = tpu.memref_slice %arg3[%add3A_37] : memref<320000xi32, #tpu.memory_space<hbm>> -> memref<80xi32, #tpu.memory_space<hbm>>
        tpu.enqueue_dma source(%dma_start3A_140 : memref<80xi32, #tpu.memory_space<hbm>>) target(%arg12 : memref<80xi32, #tpu.memory_space<vmem>>) target_semaphore(%run_scoped3A : memref<!tpu.dma_semaphore, #tpu.memory_space<semaphore_mem>>)
        %dma_wait3A_141 = tpu.memref_slice %arg3[%add3A_37] : memref<320000xi32, #tpu.memory_space<hbm>> -> memref<80xi32, #tpu.memory_space<hbm>>
        %dma_wait3A_142 = tpu.memref_slice %arg3[%add3A_37] : memref<320000xi32, #tpu.memory_space<hbm>> -> memref<80xi32, #tpu.memory_space<hbm>>
        tpu.wait_dma2 semaphore(%run_scoped3A : memref<!tpu.dma_semaphore, #tpu.memory_space<semaphore_mem>>) src(%dma_wait3A_142 : memref<80xi32, #tpu.memory_space<hbm>>) dst(%arg12 : memref<80xi32, #tpu.memory_space<vmem>>)
        tpu.yield
      }) : () -> ()
      "tpu.region"() ({
        %run_scoped3A = tpu.sem_alloc : memref<!tpu.dma_semaphore, #tpu.memory_space<semaphore_mem>>
        %dma_start3A_139 = tpu.memref_slice %arg4[%add3A_37] : memref<320000xi32, #tpu.memory_space<hbm>> -> memref<80xi32, #tpu.memory_space<hbm>>
        %dma_start3A_140 = tpu.memref_slice %arg4[%add3A_37] : memref<320000xi32, #tpu.memory_space<hbm>> -> memref<80xi32, #tpu.memory_space<hbm>>
        tpu.enqueue_dma source(%dma_start3A_140 : memref<80xi32, #tpu.memory_space<hbm>>) target(%arg17 : memref<80xi32, #tpu.memory_space<vmem>>) target_semaphore(%run_scoped3A : memref<!tpu.dma_semaphore, #tpu.memory_space<semaphore_mem>>)
        %dma_wait3A_141 = tpu.memref_slice %arg4[%add3A_37] : memref<320000xi32, #tpu.memory_space<hbm>> -> memref<80xi32, #tpu.memory_space<hbm>>
        %dma_wait3A_142 = tpu.memref_slice %arg4[%add3A_37] : memref<320000xi32, #tpu.memory_space<hbm>> -> memref<80xi32, #tpu.memory_space<hbm>>
        tpu.wait_dma2 semaphore(%run_scoped3A : memref<!tpu.dma_semaphore, #tpu.memory_space<semaphore_mem>>) src(%dma_wait3A_142 : memref<80xi32, #tpu.memory_space<hbm>>) dst(%arg17 : memref<80xi32, #tpu.memory_space<vmem>>)
        tpu.yield
      }) : () -> ()
      %dma_start3A_38 = arith.constant 0 : i32
      %dma_start3A_39 = arith.constant 0 : i32
      %dma_start3A_40 = tpu.memref_slice %arg2[%dma_start3A_38, %dma_start3A_39] : memref<10000x128xf32, #tpu.memory_space<hbm>> -> memref<10000x128xf32, #tpu.memory_space<hbm>>
      tpu.enqueue_indirect_dma source(%dma_start3A_40 : memref<10000x128xf32, #tpu.memory_space<hbm>>) target(%arg22 : memref<80x128xf32, #tpu.memory_space<vmem>>) offsets(%arg12 : memref<80xi32, #tpu.memory_space<vmem>>) semaphore(%arg29 : memref<!tpu.dma_semaphore, #tpu.memory_space<semaphore_mem>>)
      %add3A_41 = arith.constant 320 : i32
      %add3A_42 = arith.addi %add3A_21, %add3A_41 : i32
      "tpu.region"() ({
        %run_scoped3A = tpu.sem_alloc : memref<!tpu.dma_semaphore, #tpu.memory_space<semaphore_mem>>
        %dma_start3A_139 = tpu.memref_slice %arg3[%add3A_42] : memref<320000xi32, #tpu.memory_space<hbm>> -> memref<80xi32, #tpu.memory_space<hbm>>
        %dma_start3A_140 = tpu.memref_slice %arg3[%add3A_42] : memref<320000xi32, #tpu.memory_space<hbm>> -> memref<80xi32, #tpu.memory_space<hbm>>
        tpu.enqueue_dma source(%dma_start3A_140 : memref<80xi32, #tpu.memory_space<hbm>>) target(%arg13 : memref<80xi32, #tpu.memory_space<vmem>>) target_semaphore(%run_scoped3A : memref<!tpu.dma_semaphore, #tpu.memory_space<semaphore_mem>>)
        %dma_wait3A_141 = tpu.memref_slice %arg3[%add3A_42] : memref<320000xi32, #tpu.memory_space<hbm>> -> memref<80xi32, #tpu.memory_space<hbm>>
        %dma_wait3A_142 = tpu.memref_slice %arg3[%add3A_42] : memref<320000xi32, #tpu.memory_space<hbm>> -> memref<80xi32, #tpu.memory_space<hbm>>
        tpu.wait_dma2 semaphore(%run_scoped3A : memref<!tpu.dma_semaphore, #tpu.memory_space<semaphore_mem>>) src(%dma_wait3A_142 : memref<80xi32, #tpu.memory_space<hbm>>) dst(%arg13 : memref<80xi32, #tpu.memory_space<vmem>>)
        tpu.yield
      }) : () -> ()
      "tpu.region"() ({
        %run_scoped3A = tpu.sem_alloc : memref<!tpu.dma_semaphore, #tpu.memory_space<semaphore_mem>>
        %dma_start3A_139 = tpu.memref_slice %arg4[%add3A_42] : memref<320000xi32, #tpu.memory_space<hbm>> -> memref<80xi32, #tpu.memory_space<hbm>>
        %dma_start3A_140 = tpu.memref_slice %arg4[%add3A_42] : memref<320000xi32, #tpu.memory_space<hbm>> -> memref<80xi32, #tpu.memory_space<hbm>>
        tpu.enqueue_dma source(%dma_start3A_140 : memref<80xi32, #tpu.memory_space<hbm>>) target(%arg18 : memref<80xi32, #tpu.memory_space<vmem>>) target_semaphore(%run_scoped3A : memref<!tpu.dma_semaphore, #tpu.memory_space<semaphore_mem>>)
        %dma_wait3A_141 = tpu.memref_slice %arg4[%add3A_42] : memref<320000xi32, #tpu.memory_space<hbm>> -> memref<80xi32, #tpu.memory_space<hbm>>
        %dma_wait3A_142 = tpu.memref_slice %arg4[%add3A_42] : memref<320000xi32, #tpu.memory_space<hbm>> -> memref<80xi32, #tpu.memory_space<hbm>>
        tpu.wait_dma2 semaphore(%run_scoped3A : memref<!tpu.dma_semaphore, #tpu.memory_space<semaphore_mem>>) src(%dma_wait3A_142 : memref<80xi32, #tpu.memory_space<hbm>>) dst(%arg18 : memref<80xi32, #tpu.memory_space<vmem>>)
        tpu.yield
      }) : () -> ()
      %dma_start3A_43 = arith.constant 0 : i32
      %dma_start3A_44 = arith.constant 0 : i32
      %dma_start3A_45 = tpu.memref_slice %arg2[%dma_start3A_43, %dma_start3A_44] : memref<10000x128xf32, #tpu.memory_space<hbm>> -> memref<10000x128xf32, #tpu.memory_space<hbm>>
      tpu.enqueue_indirect_dma source(%dma_start3A_45 : memref<10000x128xf32, #tpu.memory_space<hbm>>) target(%arg23 : memref<80x128xf32, #tpu.memory_space<vmem>>) offsets(%arg13 : memref<80xi32, #tpu.memory_space<vmem>>) semaphore(%arg30 : memref<!tpu.dma_semaphore, #tpu.memory_space<semaphore_mem>>)
      %dma_wait3A = arith.constant 0 : i32
      %dma_wait3A_46 = arith.constant 0 : i32
      %dma_wait3A_47 = tpu.memref_slice %arg2[%dma_wait3A, %dma_wait3A_46] : memref<10000x128xf32, #tpu.memory_space<hbm>> -> memref<10000x128xf32, #tpu.memory_space<hbm>>
      tpu.wait_indirect_dma semaphore(%arg26 : memref<!tpu.dma_semaphore, #tpu.memory_space<semaphore_mem>>) src(%dma_wait3A_47 : memref<10000x128xf32, #tpu.memory_space<hbm>>) dst(%arg19 : memref<80x128xf32, #tpu.memory_space<vmem>>)
      %dma_start3A_48 = arith.constant 0 : i32
      %dma_start3A_49 = arith.constant 0 : i32
      %dma_start3A_50 = tpu.memref_slice %arg25[%dma_start3A_48, %dma_start3A_49] : memref<5120x128xf32, #tpu.memory_space<vmem_shared>> -> memref<5120x128xf32, #tpu.memory_space<vmem_shared>>
      tpu.enqueue_indirect_dma source(%arg19 : memref<80x128xf32, #tpu.memory_space<vmem>>) target(%dma_start3A_50 : memref<5120x128xf32, #tpu.memory_space<vmem_shared>>) offsets(%arg14 : memref<80xi32, #tpu.memory_space<vmem>>) semaphore(%arg31 : memref<!tpu.dma_semaphore, #tpu.memory_space<semaphore_mem>>) {add = true}
      %get3A = arith.constant 0 : index
      %get3A_51 = tpu.vector_load %arg14[%get3A] {strides = array<i32>} : memref<80xi32, #tpu.memory_space<vmem>>, vector<16xi32>,
      tpu.vector_store_idx %arg24[%get3A_51], %broadcast_in_dim3A_7 {add = true} : memref<5120xf32, #tpu.memory_space<vmem>>[vector<16xi32>], vector<16xf32>,
      %get3A_52 = arith.constant 16 : index
      %get3A_53 = tpu.vector_load %arg14[%get3A_52] {strides = array<i32>} : memref<80xi32, #tpu.memory_space<vmem>>, vector<16xi32>,
      tpu.vector_store_idx %arg24[%get3A_53], %broadcast_in_dim3A_7 {add = true} : memref<5120xf32, #tpu.memory_space<vmem>>[vector<16xi32>], vector<16xf32>,
      %get3A_54 = arith.constant 32 : index
      %get3A_55 = tpu.vector_load %arg14[%get3A_54] {strides = array<i32>} : memref<80xi32, #tpu.memory_space<vmem>>, vector<16xi32>,
      tpu.vector_store_idx %arg24[%get3A_55], %broadcast_in_dim3A_7 {add = true} : memref<5120xf32, #tpu.memory_space<vmem>>[vector<16xi32>], vector<16xf32>,
      %get3A_56 = arith.constant 48 : index
      %get3A_57 = tpu.vector_load %arg14[%get3A_56] {strides = array<i32>} : memref<80xi32, #tpu.memory_space<vmem>>, vector<16xi32>,
      tpu.vector_store_idx %arg24[%get3A_57], %broadcast_in_dim3A_7 {add = true} : memref<5120xf32, #tpu.memory_space<vmem>>[vector<16xi32>], vector<16xf32>,
      %get3A_58 = arith.constant 64 : index
      %get3A_59 = tpu.vector_load %arg14[%get3A_58] {strides = array<i32>} : memref<80xi32, #tpu.memory_space<vmem>>, vector<16xi32>,
      tpu.vector_store_idx %arg24[%get3A_59], %broadcast_in_dim3A_7 {add = true} : memref<5120xf32, #tpu.memory_space<vmem>>[vector<16xi32>], vector<16xf32>,
      %dma_wait3A_60 = arith.constant 0 : i32
      %dma_wait3A_61 = arith.constant 0 : i32
      %dma_wait3A_62 = tpu.memref_slice %arg2[%dma_wait3A_60, %dma_wait3A_61] : memref<10000x128xf32, #tpu.memory_space<hbm>> -> memref<10000x128xf32, #tpu.memory_space<hbm>>
      tpu.wait_indirect_dma semaphore(%arg27 : memref<!tpu.dma_semaphore, #tpu.memory_space<semaphore_mem>>) src(%dma_wait3A_62 : memref<10000x128xf32, #tpu.memory_space<hbm>>) dst(%arg20 : memref<80x128xf32, #tpu.memory_space<vmem>>)
      %dma_start3A_63 = arith.constant 0 : i32
      %dma_start3A_64 = arith.constant 0 : i32
      %dma_start3A_65 = tpu.memref_slice %arg25[%dma_start3A_63, %dma_start3A_64] : memref<5120x128xf32, #tpu.memory_space<vmem_shared>> -> memref<5120x128xf32, #tpu.memory_space<vmem_shared>>
      tpu.enqueue_indirect_dma source(%arg20 : memref<80x128xf32, #tpu.memory_space<vmem>>) target(%dma_start3A_65 : memref<5120x128xf32, #tpu.memory_space<vmem_shared>>) offsets(%arg15 : memref<80xi32, #tpu.memory_space<vmem>>) semaphore(%arg32 : memref<!tpu.dma_semaphore, #tpu.memory_space<semaphore_mem>>) {add = true}
      %get3A_66 = arith.constant 0 : index
      %get3A_67 = tpu.vector_load %arg15[%get3A_66] {strides = array<i32>} : memref<80xi32, #tpu.memory_space<vmem>>, vector<16xi32>,
      tpu.vector_store_idx %arg24[%get3A_67], %broadcast_in_dim3A_7 {add = true} : memref<5120xf32, #tpu.memory_space<vmem>>[vector<16xi32>], vector<16xf32>,
      %get3A_68 = arith.constant 16 : index
      %get3A_69 = tpu.vector_load %arg15[%get3A_68] {strides = array<i32>} : memref<80xi32, #tpu.memory_space<vmem>>, vector<16xi32>,
      tpu.vector_store_idx %arg24[%get3A_69], %broadcast_in_dim3A_7 {add = true} : memref<5120xf32, #tpu.memory_space<vmem>>[vector<16xi32>], vector<16xf32>,
      %get3A_70 = arith.constant 32 : index
      %get3A_71 = tpu.vector_load %arg15[%get3A_70] {strides = array<i32>} : memref<80xi32, #tpu.memory_space<vmem>>, vector<16xi32>,
      tpu.vector_store_idx %arg24[%get3A_71], %broadcast_in_dim3A_7 {add = true} : memref<5120xf32, #tpu.memory_space<vmem>>[vector<16xi32>], vector<16xf32>,
      %get3A_72 = arith.constant 48 : index
      %get3A_73 = tpu.vector_load %arg15[%get3A_72] {strides = array<i32>} : memref<80xi32, #tpu.memory_space<vmem>>, vector<16xi32>,
      tpu.vector_store_idx %arg24[%get3A_73], %broadcast_in_dim3A_7 {add = true} : memref<5120xf32, #tpu.memory_space<vmem>>[vector<16xi32>], vector<16xf32>,
      %get3A_74 = arith.constant 64 : index
      %get3A_75 = tpu.vector_load %arg15[%get3A_74] {strides = array<i32>} : memref<80xi32, #tpu.memory_space<vmem>>, vector<16xi32>,
      tpu.vector_store_idx %arg24[%get3A_75], %broadcast_in_dim3A_7 {add = true} : memref<5120xf32, #tpu.memory_space<vmem>>[vector<16xi32>], vector<16xf32>,
      %dma_wait3A_76 = arith.constant 0 : i32
      %dma_wait3A_77 = arith.constant 0 : i32
      %dma_wait3A_78 = tpu.memref_slice %arg2[%dma_wait3A_76, %dma_wait3A_77] : memref<10000x128xf32, #tpu.memory_space<hbm>> -> memref<10000x128xf32, #tpu.memory_space<hbm>>
      tpu.wait_indirect_dma semaphore(%arg28 : memref<!tpu.dma_semaphore, #tpu.memory_space<semaphore_mem>>) src(%dma_wait3A_78 : memref<10000x128xf32, #tpu.memory_space<hbm>>) dst(%arg21 : memref<80x128xf32, #tpu.memory_space<vmem>>)
      %dma_start3A_79 = arith.constant 0 : i32
      %dma_start3A_80 = arith.constant 0 : i32
      %dma_start3A_81 = tpu.memref_slice %arg25[%dma_start3A_79, %dma_start3A_80] : memref<5120x128xf32, #tpu.memory_space<vmem_shared>> -> memref<5120x128xf32, #tpu.memory_space<vmem_shared>>
      tpu.enqueue_indirect_dma source(%arg21 : memref<80x128xf32, #tpu.memory_space<vmem>>) target(%dma_start3A_81 : memref<5120x128xf32, #tpu.memory_space<vmem_shared>>) offsets(%arg16 : memref<80xi32, #tpu.memory_space<vmem>>) semaphore(%arg33 : memref<!tpu.dma_semaphore, #tpu.memory_space<semaphore_mem>>) {add = true}
      %get3A_82 = arith.constant 0 : index
      %get3A_83 = tpu.vector_load %arg16[%get3A_82] {strides = array<i32>} : memref<80xi32, #tpu.memory_space<vmem>>, vector<16xi32>,
      tpu.vector_store_idx %arg24[%get3A_83], %broadcast_in_dim3A_7 {add = true} : memref<5120xf32, #tpu.memory_space<vmem>>[vector<16xi32>], vector<16xf32>,
      %get3A_84 = arith.constant 16 : index
      %get3A_85 = tpu.vector_load %arg16[%get3A_84] {strides = array<i32>} : memref<80xi32, #tpu.memory_space<vmem>>, vector<16xi32>,
      tpu.vector_store_idx %arg24[%get3A_85], %broadcast_in_dim3A_7 {add = true} : memref<5120xf32, #tpu.memory_space<vmem>>[vector<16xi32>], vector<16xf32>,
      %get3A_86 = arith.constant 32 : index
      %get3A_87 = tpu.vector_load %arg16[%get3A_86] {strides = array<i32>} : memref<80xi32, #tpu.memory_space<vmem>>, vector<16xi32>,
      tpu.vector_store_idx %arg24[%get3A_87], %broadcast_in_dim3A_7 {add = true} : memref<5120xf32, #tpu.memory_space<vmem>>[vector<16xi32>], vector<16xf32>,
      %get3A_88 = arith.constant 48 : index
      %get3A_89 = tpu.vector_load %arg16[%get3A_88] {strides = array<i32>} : memref<80xi32, #tpu.memory_space<vmem>>, vector<16xi32>,
      tpu.vector_store_idx %arg24[%get3A_89], %broadcast_in_dim3A_7 {add = true} : memref<5120xf32, #tpu.memory_space<vmem>>[vector<16xi32>], vector<16xf32>,
      %get3A_90 = arith.constant 64 : index
      %get3A_91 = tpu.vector_load %arg16[%get3A_90] {strides = array<i32>} : memref<80xi32, #tpu.memory_space<vmem>>, vector<16xi32>,
      tpu.vector_store_idx %arg24[%get3A_91], %broadcast_in_dim3A_7 {add = true} : memref<5120xf32, #tpu.memory_space<vmem>>[vector<16xi32>], vector<16xf32>,
      %dma_wait3A_92 = arith.constant 0 : i32
      %dma_wait3A_93 = arith.constant 0 : i32
      %dma_wait3A_94 = tpu.memref_slice %arg2[%dma_wait3A_92, %dma_wait3A_93] : memref<10000x128xf32, #tpu.memory_space<hbm>> -> memref<10000x128xf32, #tpu.memory_space<hbm>>
      tpu.wait_indirect_dma semaphore(%arg29 : memref<!tpu.dma_semaphore, #tpu.memory_space<semaphore_mem>>) src(%dma_wait3A_94 : memref<10000x128xf32, #tpu.memory_space<hbm>>) dst(%arg22 : memref<80x128xf32, #tpu.memory_space<vmem>>)
      %dma_start3A_95 = arith.constant 0 : i32
      %dma_start3A_96 = arith.constant 0 : i32
      %dma_start3A_97 = tpu.memref_slice %arg25[%dma_start3A_95, %dma_start3A_96] : memref<5120x128xf32, #tpu.memory_space<vmem_shared>> -> memref<5120x128xf32, #tpu.memory_space<vmem_shared>>
      tpu.enqueue_indirect_dma source(%arg22 : memref<80x128xf32, #tpu.memory_space<vmem>>) target(%dma_start3A_97 : memref<5120x128xf32, #tpu.memory_space<vmem_shared>>) offsets(%arg17 : memref<80xi32, #tpu.memory_space<vmem>>) semaphore(%arg34 : memref<!tpu.dma_semaphore, #tpu.memory_space<semaphore_mem>>) {add = true}
      %get3A_98 = arith.constant 0 : index
      %get3A_99 = tpu.vector_load %arg17[%get3A_98] {strides = array<i32>} : memref<80xi32, #tpu.memory_space<vmem>>, vector<16xi32>,
      tpu.vector_store_idx %arg24[%get3A_99], %broadcast_in_dim3A_7 {add = true} : memref<5120xf32, #tpu.memory_space<vmem>>[vector<16xi32>], vector<16xf32>,
      %get3A_100 = arith.constant 16 : index
      %get3A_101 = tpu.vector_load %arg17[%get3A_100] {strides = array<i32>} : memref<80xi32, #tpu.memory_space<vmem>>, vector<16xi32>,
      tpu.vector_store_idx %arg24[%get3A_101], %broadcast_in_dim3A_7 {add = true} : memref<5120xf32, #tpu.memory_space<vmem>>[vector<16xi32>], vector<16xf32>,
      %get3A_102 = arith.constant 32 : index
      %get3A_103 = tpu.vector_load %arg17[%get3A_102] {strides = array<i32>} : memref<80xi32, #tpu.memory_space<vmem>>, vector<16xi32>,
      tpu.vector_store_idx %arg24[%get3A_103], %broadcast_in_dim3A_7 {add = true} : memref<5120xf32, #tpu.memory_space<vmem>>[vector<16xi32>], vector<16xf32>,
      %get3A_104 = arith.constant 48 : index
      %get3A_105 = tpu.vector_load %arg17[%get3A_104] {strides = array<i32>} : memref<80xi32, #tpu.memory_space<vmem>>, vector<16xi32>,
      tpu.vector_store_idx %arg24[%get3A_105], %broadcast_in_dim3A_7 {add = true} : memref<5120xf32, #tpu.memory_space<vmem>>[vector<16xi32>], vector<16xf32>,
      %get3A_106 = arith.constant 64 : index
      %get3A_107 = tpu.vector_load %arg17[%get3A_106] {strides = array<i32>} : memref<80xi32, #tpu.memory_space<vmem>>, vector<16xi32>,
      tpu.vector_store_idx %arg24[%get3A_107], %broadcast_in_dim3A_7 {add = true} : memref<5120xf32, #tpu.memory_space<vmem>>[vector<16xi32>], vector<16xf32>,
      %dma_wait3A_108 = arith.constant 0 : i32
      %dma_wait3A_109 = arith.constant 0 : i32
      %dma_wait3A_110 = tpu.memref_slice %arg2[%dma_wait3A_108, %dma_wait3A_109] : memref<10000x128xf32, #tpu.memory_space<hbm>> -> memref<10000x128xf32, #tpu.memory_space<hbm>>
      tpu.wait_indirect_dma semaphore(%arg30 : memref<!tpu.dma_semaphore, #tpu.memory_space<semaphore_mem>>) src(%dma_wait3A_110 : memref<10000x128xf32, #tpu.memory_space<hbm>>) dst(%arg23 : memref<80x128xf32, #tpu.memory_space<vmem>>)
      %dma_start3A_111 = arith.constant 0 : i32
      %dma_start3A_112 = arith.constant 0 : i32
      %dma_start3A_113 = tpu.memref_slice %arg25[%dma_start3A_111, %dma_start3A_112] : memref<5120x128xf32, #tpu.memory_space<vmem_shared>> -> memref<5120x128xf32, #tpu.memory_space<vmem_shared>>
      tpu.enqueue_indirect_dma source(%arg23 : memref<80x128xf32, #tpu.memory_space<vmem>>) target(%dma_start3A_113 : memref<5120x128xf32, #tpu.memory_space<vmem_shared>>) offsets(%arg18 : memref<80xi32, #tpu.memory_space<vmem>>) semaphore(%arg35 : memref<!tpu.dma_semaphore, #tpu.memory_space<semaphore_mem>>) {add = true}
      %get3A_114 = arith.constant 0 : index
      %get3A_115 = tpu.vector_load %arg18[%get3A_114] {strides = array<i32>} : memref<80xi32, #tpu.memory_space<vmem>>, vector<16xi32>,
      tpu.vector_store_idx %arg24[%get3A_115], %broadcast_in_dim3A_7 {add = true} : memref<5120xf32, #tpu.memory_space<vmem>>[vector<16xi32>], vector<16xf32>,
      %get3A_116 = arith.constant 16 : index
      %get3A_117 = tpu.vector_load %arg18[%get3A_116] {strides = array<i32>} : memref<80xi32, #tpu.memory_space<vmem>>, vector<16xi32>,
      tpu.vector_store_idx %arg24[%get3A_117], %broadcast_in_dim3A_7 {add = true} : memref<5120xf32, #tpu.memory_space<vmem>>[vector<16xi32>], vector<16xf32>,
      %get3A_118 = arith.constant 32 : index
      %get3A_119 = tpu.vector_load %arg18[%get3A_118] {strides = array<i32>} : memref<80xi32, #tpu.memory_space<vmem>>, vector<16xi32>,
      tpu.vector_store_idx %arg24[%get3A_119], %broadcast_in_dim3A_7 {add = true} : memref<5120xf32, #tpu.memory_space<vmem>>[vector<16xi32>], vector<16xf32>,
      %get3A_120 = arith.constant 48 : index
      %get3A_121 = tpu.vector_load %arg18[%get3A_120] {strides = array<i32>} : memref<80xi32, #tpu.memory_space<vmem>>, vector<16xi32>,
      tpu.vector_store_idx %arg24[%get3A_121], %broadcast_in_dim3A_7 {add = true} : memref<5120xf32, #tpu.memory_space<vmem>>[vector<16xi32>], vector<16xf32>,
      %get3A_122 = arith.constant 64 : index
      %get3A_123 = tpu.vector_load %arg18[%get3A_122] {strides = array<i32>} : memref<80xi32, #tpu.memory_space<vmem>>, vector<16xi32>,
      tpu.vector_store_idx %arg24[%get3A_123], %broadcast_in_dim3A_7 {add = true} : memref<5120xf32, #tpu.memory_space<vmem>>[vector<16xi32>], vector<16xf32>,
      %dma_wait3A_124 = arith.constant 0 : i32
      %dma_wait3A_125 = arith.constant 0 : i32
      %dma_wait3A_126 = tpu.memref_slice %arg25[%dma_wait3A_124, %dma_wait3A_125] : memref<5120x128xf32, #tpu.memory_space<vmem_shared>> -> memref<5120x128xf32, #tpu.memory_space<vmem_shared>>
      tpu.wait_indirect_dma semaphore(%arg31 : memref<!tpu.dma_semaphore, #tpu.memory_space<semaphore_mem>>) src(%arg19 : memref<80x128xf32, #tpu.memory_space<vmem>>) dst(%dma_wait3A_126 : memref<5120x128xf32, #tpu.memory_space<vmem_shared>>)
      %dma_wait3A_127 = arith.constant 0 : i32
      %dma_wait3A_128 = arith.constant 0 : i32
      %dma_wait3A_129 = tpu.memref_slice %arg25[%dma_wait3A_127, %dma_wait3A_128] : memref<5120x128xf32, #tpu.memory_space<vmem_shared>> -> memref<5120x128xf32, #tpu.memory_space<vmem_shared>>
      tpu.wait_indirect_dma semaphore(%arg32 : memref<!tpu.dma_semaphore, #tpu.memory_space<semaphore_mem>>) src(%arg20 : memref<80x128xf32, #tpu.memory_space<vmem>>) dst(%dma_wait3A_129 : memref<5120x128xf32, #tpu.memory_space<vmem_shared>>)
      %dma_wait3A_130 = arith.constant 0 : i32
      %dma_wait3A_131 = arith.constant 0 : i32
      %dma_wait3A_132 = tpu.memref_slice %arg25[%dma_wait3A_130, %dma_wait3A_131] : memref<5120x128xf32, #tpu.memory_space<vmem_shared>> -> memref<5120x128xf32, #tpu.memory_space<vmem_shared>>
      tpu.wait_indirect_dma semaphore(%arg33 : memref<!tpu.dma_semaphore, #tpu.memory_space<semaphore_mem>>) src(%arg21 : memref<80x128xf32, #tpu.memory_space<vmem>>) dst(%dma_wait3A_132 : memref<5120x128xf32, #tpu.memory_space<vmem_shared>>)
      %dma_wait3A_133 = arith.constant 0 : i32
      %dma_wait3A_134 = arith.constant 0 : i32
      %dma_wait3A_135 = tpu.memref_slice %arg25[%dma_wait3A_133, %dma_wait3A_134] : memref<5120x128xf32, #tpu.memory_space<vmem_shared>> -> memref<5120x128xf32, #tpu.memory_space<vmem_shared>>
      tpu.wait_indirect_dma semaphore(%arg34 : memref<!tpu.dma_semaphore, #tpu.memory_space<semaphore_mem>>) src(%arg22 : memref<80x128xf32, #tpu.memory_space<vmem>>) dst(%dma_wait3A_135 : memref<5120x128xf32, #tpu.memory_space<vmem_shared>>)
      %dma_wait3A_136 = arith.constant 0 : i32
      %dma_wait3A_137 = arith.constant 0 : i32
      %dma_wait3A_138 = tpu.memref_slice %arg25[%dma_wait3A_136, %dma_wait3A_137] : memref<5120x128xf32, #tpu.memory_space<vmem_shared>> -> memref<5120x128xf32, #tpu.memory_space<vmem_shared>>
      tpu.wait_indirect_dma semaphore(%arg35 : memref<!tpu.dma_semaphore, #tpu.memory_space<semaphore_mem>>) src(%arg23 : memref<80x128xf32, #tpu.memory_space<vmem>>) dst(%dma_wait3A_138 : memref<5120x128xf32, #tpu.memory_space<vmem_shared>>)
    }
    %scan3A_12 = arith.constant 25 : i32
    %barrier3A_13 = arith.constant 0 : index
    tpu.barrier barrier_id(%barrier3A_13)
    %mul3A_14 = arith.constant 320 : i32
    %mul3A_15 = arith.muli %arg1, %mul3A_14 : i32
    %mul3A_16 = arith.constant 320 : i32
    %mul3A_17 = arith.muli %arg1, %mul3A_16 : i32
    "tpu.region"() ({
      %run_scoped3A = tpu.sem_alloc : memref<!tpu.dma_semaphore, #tpu.memory_space<semaphore_mem>>
      %dma_start3A = arith.constant 0 : i32
      %dma_start3A_18 = tpu.memref_slice %arg7[%arg0, %mul3A_17, %dma_start3A] : memref<2x5120x128xf32, #tpu.memory_space<hbm>> -> memref<1x320x128xf32, #tpu.memory_space<hbm>>
      %dma_start3A_19 = tpu.memref_squeeze %dma_start3A_18 : memref<1x320x128xf32, #tpu.memory_space<hbm>> -> memref<320x128xf32, #tpu.memory_space<hbm>>
      %dma_start3A_20 = arith.constant 0 : i32
      %dma_start3A_21 = tpu.memref_slice %arg25[%mul3A_15, %dma_start3A_20] : memref<5120x128xf32, #tpu.memory_space<vmem_shared>> -> memref<320x128xf32, #tpu.memory_space<vmem_shared>>
      tpu.enqueue_dma source(%dma_start3A_21 : memref<320x128xf32, #tpu.memory_space<vmem_shared>>) target(%dma_start3A_19 : memref<320x128xf32, #tpu.memory_space<hbm>>) target_semaphore(%run_scoped3A : memref<!tpu.dma_semaphore, #tpu.memory_space<semaphore_mem>>)
      %dma_wait3A = arith.constant 0 : i32
      %dma_wait3A_22 = tpu.memref_slice %arg7[%arg0, %mul3A_17, %dma_wait3A] : memref<2x5120x128xf32, #tpu.memory_space<hbm>> -> memref<1x320x128xf32, #tpu.memory_space<hbm>>
      %dma_wait3A_23 = tpu.memref_squeeze %dma_wait3A_22 : memref<1x320x128xf32, #tpu.memory_space<hbm>> -> memref<320x128xf32, #tpu.memory_space<hbm>>
      %dma_wait3A_24 = arith.constant 0 : i32
      %dma_wait3A_25 = tpu.memref_slice %arg25[%mul3A_15, %dma_wait3A_24] : memref<5120x128xf32, #tpu.memory_space<vmem_shared>> -> memref<320x128xf32, #tpu.memory_space<vmem_shared>>
      tpu.wait_dma2 semaphore(%run_scoped3A : memref<!tpu.dma_semaphore, #tpu.memory_space<semaphore_mem>>) src(%dma_wait3A_25 : memref<320x128xf32, #tpu.memory_space<vmem_shared>>) dst(%dma_wait3A_23 : memref<320x128xf32, #tpu.memory_space<hbm>>)
      tpu.yield
    }) : () -> ()
    "tpu.region"() ({
      %run_scoped3A = tpu.sem_alloc : memref<!tpu.dma_semaphore, #tpu.memory_space<semaphore_mem>>
      %dma_start3A = arith.constant 0 : i32
      %dma_start3A_18 = tpu.memref_slice %arg8[%add3A, %dma_start3A] : memref<32x5120xf32, #tpu.memory_space<hbm>> -> memref<1x5120xf32, #tpu.memory_space<hbm>>
      %dma_start3A_19 = tpu.memref_squeeze %dma_start3A_18 : memref<1x5120xf32, #tpu.memory_space<hbm>> -> memref<5120xf32, #tpu.memory_space<hbm>>
      %dma_start3A_20 = arith.constant 0 : i32
      %dma_start3A_21 = tpu.memref_slice %arg8[%add3A, %dma_start3A_20] : memref<32x5120xf32, #tpu.memory_space<hbm>> -> memref<1x5120xf32, #tpu.memory_space<hbm>>
      %dma_start3A_22 = tpu.memref_squeeze %dma_start3A_21 : memref<1x5120xf32, #tpu.memory_space<hbm>> -> memref<5120xf32, #tpu.memory_space<hbm>>
      tpu.enqueue_dma source(%arg24 : memref<5120xf32, #tpu.memory_space<vmem>>) target(%dma_start3A_22 : memref<5120xf32, #tpu.memory_space<hbm>>) target_semaphore(%run_scoped3A : memref<!tpu.dma_semaphore, #tpu.memory_space<semaphore_mem>>)
      %dma_wait3A = arith.constant 0 : i32
      %dma_wait3A_23 = tpu.memref_slice %arg8[%add3A, %dma_wait3A] : memref<32x5120xf32, #tpu.memory_space<hbm>> -> memref<1x5120xf32, #tpu.memory_space<hbm>>
      %dma_wait3A_24 = tpu.memref_squeeze %dma_wait3A_23 : memref<1x5120xf32, #tpu.memory_space<hbm>> -> memref<5120xf32, #tpu.memory_space<hbm>>
      %dma_wait3A_25 = arith.constant 0 : i32
      %dma_wait3A_26 = tpu.memref_slice %arg8[%add3A, %dma_wait3A_25] : memref<32x5120xf32, #tpu.memory_space<hbm>> -> memref<1x5120xf32, #tpu.memory_space<hbm>>
      %dma_wait3A_27 = tpu.memref_squeeze %dma_wait3A_26 : memref<1x5120xf32, #tpu.memory_space<hbm>> -> memref<5120xf32, #tpu.memory_space<hbm>>
      tpu.wait_dma2 semaphore(%run_scoped3A : memref<!tpu.dma_semaphore, #tpu.memory_space<semaphore_mem>>) src(%arg24 : memref<5120xf32, #tpu.memory_space<vmem>>) dst(%dma_wait3A_27 : memref<5120xf32, #tpu.memory_space<hbm>>)
      tpu.yield
    }) : () -> ()
    return
  }
}

module attributes {stable_mosaic.version = 14 : i64} {
  func.func @_tc_layer0_body(%arg0: memref<2x5120x128xf32, #tpu.memory_space<vmem>>, %arg1: memref<32x5120xf32, #tpu.memory_space<vmem>>, %arg2: memref<5000x128xf32, #tpu.memory_space<vmem>>, %arg3: memref<128x128xf32, #tpu.memory_space<vmem>>, %arg4: memref<128x128xf32, #tpu.memory_space<vmem>>, %arg5: memref<128xf32, #tpu.memory_space<vmem>>, %arg6: memref<128xf32, #tpu.memory_space<vmem>>, %arg7: memref<128xf32, #tpu.memory_space<vmem>>, %arg8: memref<64x128xf32, #tpu.memory_space<vmem>>, %arg9: memref<64xf32, #tpu.memory_space<vmem>>, %arg10: memref<5000x128xf32, #tpu.memory_space<vmem>>, %arg11: memref<1000x64xf32, #tpu.memory_space<vmem>>) attributes {dimension_semantics = [], scalar_prefetch = 0 : i64, scratch_operands = 0 : i64, tpu.core_type = #tpu.core_type<tc>} {
    %get3A = arith.constant 0 : index
    %get3A_0 = arith.constant 0 : index
    %get3A_1 = vector.load %arg1[%get3A, %get3A_0] : memref<32x5120xf32, #tpu.memory_space<vmem>>, vector<32x5120xf32>
    %reduce_sum3A = arith.constant dense<0.000000e+00> : vector<5120xf32>
    %reduce_sum3A_2 = vector.multi_reduction <add>, %get3A_1, %reduce_sum3A [0] : vector<32x5120xf32> to vector<5120xf32>
    %slice3A = vector.extract_strided_slice %reduce_sum3A_2 {offsets = [0], sizes = [5000], strides = [1]} : vector<5120xf32> to vector<5000xf32>
    %get3A_3 = arith.constant 0 : index
    %get3A_4 = arith.constant 0 : index
    %get3A_5 = arith.constant 0 : index
    %get3A_6 = vector.load %arg0[%get3A_3, %get3A_4, %get3A_5] : memref<2x5120x128xf32, #tpu.memory_space<vmem>>, vector<1x5000x128xf32>
    %get3A_7 = vector.shape_cast %get3A_6 : vector<1x5000x128xf32> to vector<5000x128xf32>
    %get3A_8 = arith.constant 1 : index
    %get3A_9 = arith.constant 0 : index
    %get3A_10 = arith.constant 0 : index
    %get3A_11 = vector.load %arg0[%get3A_8, %get3A_9, %get3A_10] : memref<2x5120x128xf32, #tpu.memory_space<vmem>>, vector<1x5000x128xf32>
    %get3A_12 = vector.shape_cast %get3A_11 : vector<1x5000x128xf32> to vector<5000x128xf32>
    %add3A = arith.addf %get3A_7, %get3A_12 : vector<5000x128xf32>
    %max3A = arith.constant 1.000000e+00 : f32
    %max3A_13 = vector.broadcast %max3A : f32 to vector<5000xf32>
    %max3A_14 = arith.maximumf %slice3A, %max3A_13 : vector<5000xf32>
    %broadcast_in_dim3A = vector.shape_cast %max3A_14 : vector<5000xf32> to vector<5000x1xf32>
    %div3A = vector.broadcast %broadcast_in_dim3A : vector<5000x1xf32> to vector<5000x128xf32>
    %div3A_15 = arith.divf %add3A, %div3A : vector<5000x128xf32>
    %get3A_16 = arith.constant 0 : index
    %get3A_17 = arith.constant 0 : index
    %get3A_18 = vector.load %arg3[%get3A_16, %get3A_17] : memref<128x128xf32, #tpu.memory_space<vmem>>, vector<128x128xf32>
    %dot_general3A = arith.constant dense<0.000000e+00> : vector<5000x128xf32>
    %dot_general3A_19 = tpu.matmul %div3A_15, %get3A_18, %dot_general3A {dimension_numbers = #tpu.dot_dimension_numbers<[1], [1], [0], [0], [0, 0, 1, 0], [], []>, transpose_lhs_hint = false} : vector<5000x128xf32>, vector<128x128xf32>, vector<5000x128xf32> -> vector<5000x128xf32>
    %get3A_20 = arith.constant 0 : index
    %get3A_21 = arith.constant 0 : index
    %get3A_22 = vector.load %arg2[%get3A_20, %get3A_21] : memref<5000x128xf32, #tpu.memory_space<vmem>>, vector<5000x128xf32>
    %get3A_23 = arith.constant 0 : index
    %get3A_24 = arith.constant 0 : index
    %get3A_25 = vector.load %arg4[%get3A_23, %get3A_24] : memref<128x128xf32, #tpu.memory_space<vmem>>, vector<128x128xf32>
    %dot_general3A_26 = arith.constant dense<0.000000e+00> : vector<5000x128xf32>
    %dot_general3A_27 = tpu.matmul %get3A_22, %get3A_25, %dot_general3A_26 {dimension_numbers = #tpu.dot_dimension_numbers<[1], [1], [0], [0], [0, 0, 1, 0], [], []>, transpose_lhs_hint = false} : vector<5000x128xf32>, vector<128x128xf32>, vector<5000x128xf32> -> vector<5000x128xf32>
    %add3A_28 = arith.addf %dot_general3A_19, %dot_general3A_27 : vector<5000x128xf32>
    %get3A_29 = arith.constant 0 : index
    %get3A_30 = vector.load %arg5[%get3A_29] : memref<128xf32, #tpu.memory_space<vmem>>, vector<128xf32>
    %broadcast_in_dim3A_31 = vector.shape_cast %get3A_30 : vector<128xf32> to vector<1x128xf32>
    %add3A_32 = vector.broadcast %broadcast_in_dim3A_31 : vector<1x128xf32> to vector<5000x128xf32>
    %add3A_33 = arith.addf %add3A_28, %add3A_32 : vector<5000x128xf32>
    %reduce_sum3A_34 = arith.constant dense<0.000000e+00> : vector<5000xf32>
    %reduce_sum3A_35 = vector.multi_reduction <add>, %add3A_33, %reduce_sum3A_34 [1] : vector<5000x128xf32> to vector<5000xf32>
    %broadcast_in_dim3A_36 = vector.shape_cast %reduce_sum3A_35 : vector<5000xf32> to vector<5000x1xf32>
    %div3A_37 = arith.constant 1.280000e+02 : f32
    %div3A_38 = vector.broadcast %div3A_37 : f32 to vector<5000x1xf32>
    %div3A_39 = arith.divf %broadcast_in_dim3A_36, %div3A_38 : vector<5000x1xf32>
    %sub3A = vector.broadcast %div3A_39 : vector<5000x1xf32> to vector<5000x128xf32>
    %sub3A_40 = arith.subf %add3A_33, %sub3A : vector<5000x128xf32>
    %mul3A = arith.mulf %sub3A_40, %sub3A_40 : vector<5000x128xf32>
    %reduce_sum3A_41 = arith.constant dense<0.000000e+00> : vector<5000xf32>
    %reduce_sum3A_42 = vector.multi_reduction <add>, %mul3A, %reduce_sum3A_41 [1] : vector<5000x128xf32> to vector<5000xf32>
    %broadcast_in_dim3A_43 = vector.shape_cast %reduce_sum3A_42 : vector<5000xf32> to vector<5000x1xf32>
    %div3A_44 = arith.constant 1.280000e+02 : f32
    %div3A_45 = vector.broadcast %div3A_44 : f32 to vector<5000x1xf32>
    %div3A_46 = arith.divf %broadcast_in_dim3A_43, %div3A_45 : vector<5000x1xf32>
    %add3A_47 = arith.constant 9.99999974E-6 : f32
    %add3A_48 = vector.broadcast %add3A_47 : f32 to vector<5000x1xf32>
    %add3A_49 = arith.addf %div3A_46, %add3A_48 : vector<5000x1xf32>
    %rsqrt3A = math.rsqrt %add3A_49 : vector<5000x1xf32>
    %mul3A_50 = vector.broadcast %rsqrt3A : vector<5000x1xf32> to vector<5000x128xf32>
    %mul3A_51 = arith.mulf %sub3A_40, %mul3A_50 : vector<5000x128xf32>
    %get3A_52 = arith.constant 0 : index
    %get3A_53 = vector.load %arg6[%get3A_52] : memref<128xf32, #tpu.memory_space<vmem>>, vector<128xf32>
    %broadcast_in_dim3A_54 = vector.shape_cast %get3A_53 : vector<128xf32> to vector<1x128xf32>
    %mul3A_55 = vector.broadcast %broadcast_in_dim3A_54 : vector<1x128xf32> to vector<5000x128xf32>
    %mul3A_56 = arith.mulf %mul3A_51, %mul3A_55 : vector<5000x128xf32>
    %get3A_57 = arith.constant 0 : index
    %get3A_58 = vector.load %arg7[%get3A_57] : memref<128xf32, #tpu.memory_space<vmem>>, vector<128xf32>
    %broadcast_in_dim3A_59 = vector.shape_cast %get3A_58 : vector<128xf32> to vector<1x128xf32>
    %add3A_60 = vector.broadcast %broadcast_in_dim3A_59 : vector<1x128xf32> to vector<5000x128xf32>
    %add3A_61 = arith.addf %mul3A_56, %add3A_60 : vector<5000x128xf32>
    %max3A_62 = arith.constant 0.000000e+00 : f32
    %max3A_63 = vector.broadcast %max3A_62 : f32 to vector<5000x128xf32>
    %max3A_64 = arith.maximumf %add3A_61, %max3A_63 : vector<5000x128xf32>
    %swap3A = arith.constant 0 : index
    %swap3A_65 = arith.constant 0 : index
    %swap3A_66 = vector.load %arg10[%swap3A, %swap3A_65] : memref<5000x128xf32, #tpu.memory_space<vmem>>, vector<5000x128xf32>
    tpu.vector_store %arg10[%swap3A, %swap3A_65], %max3A_64 {strides = array<i32>} : memref<5000x128xf32, #tpu.memory_space<vmem>>, vector<5000x128xf32>,
    %slice3A_67 = vector.extract_strided_slice %max3A_64 {offsets = [0, 0], sizes = [1000, 128], strides = [1, 1]} : vector<5000x128xf32> to vector<1000x128xf32>
    %get3A_68 = arith.constant 0 : index
    %get3A_69 = arith.constant 0 : index
    %get3A_70 = vector.load %arg8[%get3A_68, %get3A_69] : memref<64x128xf32, #tpu.memory_space<vmem>>, vector<64x128xf32>
    %dot_general3A_71 = arith.constant dense<0.000000e+00> : vector<1000x64xf32>
    %dot_general3A_72 = tpu.matmul %slice3A_67, %get3A_70, %dot_general3A_71 {dimension_numbers = #tpu.dot_dimension_numbers<[1], [1], [0], [0], [0, 0, 1, 0], [], []>, transpose_lhs_hint = false} : vector<1000x128xf32>, vector<64x128xf32>, vector<1000x64xf32> -> vector<1000x64xf32>
    %get3A_73 = arith.constant 0 : index
    %get3A_74 = vector.load %arg9[%get3A_73] : memref<64xf32, #tpu.memory_space<vmem>>, vector<64xf32>
    %broadcast_in_dim3A_75 = vector.shape_cast %get3A_74 : vector<64xf32> to vector<1x64xf32>
    %add3A_76 = vector.broadcast %broadcast_in_dim3A_75 : vector<1x64xf32> to vector<1000x64xf32>
    %add3A_77 = arith.addf %dot_general3A_72, %add3A_76 : vector<1000x64xf32>
    %swap3A_78 = arith.constant 0 : index
    %swap3A_79 = arith.constant 0 : index
    %swap3A_80 = vector.load %arg11[%swap3A_78, %swap3A_79] : memref<1000x64xf32, #tpu.memory_space<vmem>>, vector<1000x64xf32>
    tpu.vector_store %arg11[%swap3A_78, %swap3A_79], %add3A_77 {strides = array<i32>} : memref<1000x64xf32, #tpu.memory_space<vmem>>, vector<1000x64xf32>,
    return
  }
}

module attributes {stable_mosaic.version = 14 : i64} {
  func.func @_tc_layer1_body(%arg0: memref<2x1024x128xf32, #tpu.memory_space<vmem>>, %arg1: memref<32x1024xf32, #tpu.memory_space<vmem>>, %arg2: memref<1000x64xf32, #tpu.memory_space<vmem>>, %arg3: memref<64x128xf32, #tpu.memory_space<vmem>>, %arg4: memref<1000x64xf32, #tpu.memory_space<vmem>>) attributes {dimension_semantics = [], scalar_prefetch = 0 : i64, scratch_operands = 0 : i64, tpu.core_type = #tpu.core_type<tc>} {
    %get3A = arith.constant 0 : index
    %get3A_0 = arith.constant 0 : index
    %get3A_1 = vector.load %arg1[%get3A, %get3A_0] : memref<32x1024xf32, #tpu.memory_space<vmem>>, vector<32x1024xf32>
    %reduce_sum3A = arith.constant dense<0.000000e+00> : vector<1024xf32>
    %reduce_sum3A_2 = vector.multi_reduction <add>, %get3A_1, %reduce_sum3A [0] : vector<32x1024xf32> to vector<1024xf32>
    %slice3A = vector.extract_strided_slice %reduce_sum3A_2 {offsets = [0], sizes = [1000], strides = [1]} : vector<1024xf32> to vector<1000xf32>
    %get3A_3 = arith.constant 0 : index
    %get3A_4 = arith.constant 0 : index
    %get3A_5 = arith.constant 0 : index
    %get3A_6 = vector.load %arg0[%get3A_3, %get3A_4, %get3A_5] : memref<2x1024x128xf32, #tpu.memory_space<vmem>>, vector<1x1000x128xf32>
    %get3A_7 = vector.shape_cast %get3A_6 : vector<1x1000x128xf32> to vector<1000x128xf32>
    %get3A_8 = arith.constant 1 : index
    %get3A_9 = arith.constant 0 : index
    %get3A_10 = arith.constant 0 : index
    %get3A_11 = vector.load %arg0[%get3A_8, %get3A_9, %get3A_10] : memref<2x1024x128xf32, #tpu.memory_space<vmem>>, vector<1x1000x128xf32>
    %get3A_12 = vector.shape_cast %get3A_11 : vector<1x1000x128xf32> to vector<1000x128xf32>
    %add3A = arith.addf %get3A_7, %get3A_12 : vector<1000x128xf32>
    %max3A = arith.constant 1.000000e+00 : f32
    %max3A_13 = vector.broadcast %max3A : f32 to vector<1000xf32>
    %max3A_14 = arith.maximumf %slice3A, %max3A_13 : vector<1000xf32>
    %broadcast_in_dim3A = vector.shape_cast %max3A_14 : vector<1000xf32> to vector<1000x1xf32>
    %div3A = vector.broadcast %broadcast_in_dim3A : vector<1000x1xf32> to vector<1000x128xf32>
    %div3A_15 = arith.divf %add3A, %div3A : vector<1000x128xf32>
    %get3A_16 = arith.constant 0 : index
    %get3A_17 = arith.constant 0 : index
    %get3A_18 = vector.load %arg3[%get3A_16, %get3A_17] : memref<64x128xf32, #tpu.memory_space<vmem>>, vector<64x128xf32>
    %dot_general3A = arith.constant dense<0.000000e+00> : vector<1000x64xf32>
    %dot_general3A_19 = tpu.matmul %div3A_15, %get3A_18, %dot_general3A {dimension_numbers = #tpu.dot_dimension_numbers<[1], [1], [0], [0], [0, 0, 1, 0], [], []>, transpose_lhs_hint = false} : vector<1000x128xf32>, vector<64x128xf32>, vector<1000x64xf32> -> vector<1000x64xf32>
    %get3A_20 = arith.constant 0 : index
    %get3A_21 = arith.constant 0 : index
    %get3A_22 = vector.load %arg2[%get3A_20, %get3A_21] : memref<1000x64xf32, #tpu.memory_space<vmem>>, vector<1000x64xf32>
    %add3A_23 = arith.addf %dot_general3A_19, %get3A_22 : vector<1000x64xf32>
    %swap3A = arith.constant 0 : index
    %swap3A_24 = arith.constant 0 : index
    %swap3A_25 = vector.load %arg4[%swap3A, %swap3A_24] : memref<1000x64xf32, #tpu.memory_space<vmem>>, vector<1000x64xf32>
    tpu.vector_store %arg4[%swap3A, %swap3A_24], %add3A_23 {strides = array<i32>} : memref<1000x64xf32, #tpu.memory_space<vmem>>, vector<1000x64xf32>,
    return
  }
}

</mosaic_0001>

<sc_bundles>
// kernel: kernel.6.cloned.1.call-start
scs
__scs_entry_jumppad:
0x0: {  	(pc) =	sbr.rel $0x88, $3  }
0x1: {  	(tag) =	ssettag $0x0;
	lr =	simm.s32 $0x1  }
0x2: {  	[smem:$0x3F96] =	sst lr;
	_ =	strace $0xD0000000  }
0x3: {  	_ = 	snop  }
0x4: {  	_ = 	snop  }
0x5: {  	_ = 	snop  }
0x6: {  	_ = 	snop  }
0x7: {  	_ = 	snop  }
__scs_overlays_trampoline_lowered:
0x8: {  	[smem:$0x3FA5] =	sst s0  }
0x9: {  	[smem:$0x3FA6] =	sst s1  }
0xa: {  	[smem:$0x3FA7] =	sst s2  }
0xb: {  	[smem:$0x3FA8] =	sst s3  }
0xc: {  	[smem:$0x3FA9] =	sst s4  }
0xd: {  	[smem:$0x3FAA] =	sst s5  }
0xe: {  	[smem:$0x3FAB] =	sst s6  }
0xf: {  	[smem:$0x3FAC] =	sst s7  }
0x10: {  	[smem:$0x3FAD] =	sst s8  }
0x11: {  	[smem:$0x3FAE] =	sst s9;
	s0 =	simm.s32 @!p0 $0x0  }
0x12: {  	s1 =	sld [smem:$0x3F94];
	s0 =	simm.s32 @p0 $0x1  }
0x13: {  	[smem:$0x3FAF] =	sst s0;
	s0 =	simm.s32 @!p1 $0x0  }
0x14: {  	s2 =	sld [smem:$0x3F93];
	s0 =	simm.s32 @p1 $0x1  }
0x15: {  	[smem:$0x3FB0] =	sst s0;
	s0 =	simm.s32 @!p2 $0x0  }
0x16: {  	s3 =	sld [smem:$0x3FDB];
	s0 =	simm.s32 @p2 $0x1  }
0x17: {  	s4 =	simm.s32 $0x1BF5;
	[smem:$0x3FB2] =	sst s0  }
0x18: {  	s0 =	sld [smem:$0x3F95];
	_ =	swait.ge [sflag:s4], $0x0  }
0x19: {  	s7 =	sld [smem:$0x3F96]  }
0x1a: {  	s8 =	sadd.s32 $0xFFFFE003, lr  }
0x1b: {  	s9 =	sadd.s32 $0xFFFFFEF7, lr;
	s5 =	simm.s32 $0xFFFFFFFF;
	p2 =	slt.u32 s8, $0xFFFFF086  }
0x1c: {  	p1 =	slt.u32 s9, $0xF7A;
	s5 =	simm.s32 @!p2 $0x0  }
0x1d: {  	s5 =	simm.s32 @p1 $0x1;
	p0 =	seq.s32 s7, s2  }
0x1e: {  	s7 =	smul.u32 @!p0 $0xF7A, s2;
	p2 =	seq.s32 @!p0 s5, $0x0  }
0x1f: {  	s9 =	smul.u32 $0xF7A, s1;
	s8 =	simm.s32 @!p0 $0x1BF5;
	p2 =	por !p2, p0  }
0x20: {  	[sflag:s8] =	ssyncset.s32 @!p0 $0xFFFFF086;
	s6 =	sadd.s32 @!p0 s3, s7;
	s7 =	simm.s32 @!p0 $0x108  }
0x21: {  	s3 =	sadd.s32 s3, s9;
	s6 =	sadd.s32 @!p0 $0x88, s6;
	s7 =	simm.s32 @p2 $0x1082  }
0x22: {  	[simem:s7], [sflag:s8] =	dma.local @!p0 [hbm:s6], $0xF7A  }
0x23: {  	s9 =	sor.u32 $0xD0000000, s2;
	s6 =	simm.s32 $0x108;
	_ =	swait.ge @!p0 [sflag:s8], $0x0  }
0x24: {  	s3 =	sadd.s32 $0x88, s3;
	s6 =	simm.s32 @!p1 $0x1082;
	[sflag:s4] =	ssyncset.s32 $0xFFFFF086  }
0x25: {  	[simem:s6], [sflag:s4] =	dma.local [hbm:s3], $0xF7A  }
0x26: {  	[smem:$0x3F96] =	sst s1;
	(tag) =	ssettag s2;
	_ =	strace s9  }
0x27: {  	s1 =	sld [smem:$0x3FA6]  }
0x28: {  	s2 =	sld [smem:$0x3FA7]  }
0x29: {  	s4 =	sld [smem:$0x3FA9]  }
0x2a: {  	p0 =	seq.s32 s5, $0x0;
	s5 =	sld [smem:$0x3FAA]  }
0x2b: {  	s6 =	sld [smem:$0x3FAB]  }
0x2c: {  	s7 =	sld [smem:$0x3FAC]  }
0x2d: {  	s3 =	simm.s32 $0x108;
	s8 =	sld [smem:$0x3FAD]  }
0x2e: {  	s3 =	simm.s32 @!p0 $0x1082;
	s9 =	sld [smem:$0x3FAE]  }
0x2f: {  	lr =	sadd.s32 s0, s3;
	s0 =	sld [smem:$0x3FA5]  }
0x30: {  	s3 =	sld [smem:$0x3FA8]  }
0x31: {  	[smem:$0x3FB1] =	sst s10  }
0x32: {  	s10 =	sld [smem:$0x3FAF];
	_ =	sdelay $0x3  }
0x33: {  	p0 =	seq.s32 s10, $0x1;
	s10 =	sld [smem:$0x3FB1];
	_ =	sdelay $0x3  }
0x34: {  	[smem:$0x3FB1] =	sst s10  }
0x35: {  	s10 =	sld [smem:$0x3FB0];
	_ =	sdelay $0x3  }
0x36: {  	p1 =	seq.s32 s10, $0x1;
	s10 =	sld [smem:$0x3FB1];
	_ =	sdelay $0x3  }
0x37: {  	[smem:$0x3FB1] =	sst s10  }
0x38: {  	s10 =	sld [smem:$0x3FB2]  }
0x39: {  	_ = 	snop;
	(pc) =	sbr.ind lr, $3  }
0x3a: {  	_ = 	snop  }
0x3b: {  	_ = 	snop  }
0x3c: {  	p2 =	seq.s32 s10, $0x1;
	s10 =	sld [smem:$0x3FB1]  }
0x3d: {  	_ =	shalt  }
0x3e: {  	_ =	shalt  }
0x3f: {  	_ =	shalt  }
0x40: {  	_ =	shalt  }
0x41: {  	_ =	shalt  }
0x42: {  	_ =	shalt  }
0x43: {  	_ =	shalt  }
0x44: {  	_ =	shalt  }
0x45: {  	_ =	shalt  }
0x46: {  	_ =	shalt  }
0x47: {  	_ =	shalt  }
0x48: {  	_ =	shalt  }
0x49: {  	_ =	shalt  }
0x4a: {  	_ =	shalt  }
0x4b: {  	_ =	shalt  }
0x4c: {  	_ =	shalt  }
0x4d: {  	_ =	shalt  }
0x4e: {  	_ =	shalt  }
0x4f: {  	_ =	shalt  }
0x50: {  	_ =	shalt  }
0x51: {  	_ =	shalt  }
0x52: {  	_ =	shalt  }
0x53: {  	_ =	shalt  }
0x54: {  	_ =	shalt  }
0x55: {  	_ =	shalt  }
0x56: {  	_ =	shalt  }
0x57: {  	_ =	shalt  }
0x58: {  	_ =	shalt  }
0x59: {  	_ =	shalt  }
0x5a: {  	_ =	shalt  }
0x5b: {  	_ =	shalt  }
0x5c: {  	_ =	shalt  }
0x5d: {  	_ =	shalt  }
0x5e: {  	_ =	shalt  }
0x5f: {  	_ =	shalt  }
0x60: {  	_ =	shalt  }
0x61: {  	_ =	shalt  }
0x62: {  	_ =	shalt  }
0x63: {  	_ =	shalt  }
0x64: {  	_ =	shalt  }
0x65: {  	_ =	shalt  }
0x66: {  	_ =	shalt  }
0x67: {  	_ =	shalt  }
0x68: {  	_ =	shalt  }
0x69: {  	_ =	shalt  }
0x6a: {  	_ =	shalt  }
0x6b: {  	_ =	shalt  }
0x6c: {  	_ =	shalt  }
0x6d: {  	_ =	shalt  }
0x6e: {  	_ =	shalt  }
0x6f: {  	_ =	shalt  }
0x70: {  	_ =	shalt  }
0x71: {  	_ =	shalt  }
0x72: {  	_ =	shalt  }
0x73: {  	_ =	shalt  }
0x74: {  	_ =	shalt  }
0x75: {  	_ =	shalt  }
0x76: {  	_ =	shalt  }
0x77: {  	_ =	shalt  }
0x78: {  	_ =	shalt  }
0x79: {  	_ =	shalt  }
0x7a: {  	_ =	shalt  }
0x7b: {  	_ =	shalt  }
0x7c: {  	_ =	shalt  }
0x7d: {  	_ =	shalt  }
0x7e: {  	_ =	shalt  }
0x7f: {  	_ =	shalt  }
0x80: {  	_ =	shalt  }
0x81: {  	_ =	shalt  }
0x82: {  	_ =	shalt  }
0x83: {  	_ =	shalt  }
0x84: {  	_ =	shalt  }
0x85: {  	_ =	shalt  }
0x86: {  	_ =	shalt  }
0x87: {  	_ =	shalt  }
.Lfunc_end0:
.L_simem_size_0:
called_computation_lowered:
.L_overlay_start_0:
0x88: {  	s2 =	sld [smem:$0x3FD9]  }
0x89: {  	s3 =	sld [smem:$0x3FFE];
	_ =	sdelay $0x1  }
0x8a: {  	s1 =	srdreg.scid  }
0x8b: {  	s0 =	sand.u32 $0x1, s1  }
0x8c: {  	s17 =	sshll.u32 s0, $0xA;
	s2 =	sadd.s32 s3, s2  }
0x8d: {  	s2 =	sadd.s32 s2, s17  }
0x8e: {  	[smem:$0x3FBD] =	sst s2  }
0x8f: {  	_ = 	snop  }
0x90: {  	s2 =	sld [smem:$0x3FC9];
	(tm) =	ssettm $0x1  }
0x91: {  	s18 =	sld [smem:$0x3FFB];
	_ =	sdelay $0x3  }
0x92: {  	_ =	strace s18  }
0x93: {  	s3 =	sld [smem:$0x3FFC];
	_ =	sdelay $0x3  }
0x94: {  	_ =	strace s3  }
0x95: {  	s3 =	sld [smem:$0x3FFD];
	_ =	sdelay $0x3  }
0x96: {  	_ =	strace s3  }
0x97: {  	_ =	strace $0x8FFFFFFF  }
0x98: {  	s19 =	sld [smem:$0x3FDB];
	_ =	sdelay $0x1  }
0x99: {  	s4 =	simm.s32 $_scs_section_size  }
0x9a: {  	s5 =	simm.s32 $_size__tile_overlayer_lowered;
	s6 =	simm.s32 $_tile_overlayer_lowered  }
0x9b: {  	s22 =	simm.s32 $0x1BFF;
	s21 =	sshll.u32 s6, $0x1;
	s3 =	sadd.s32 s4, s19  }
0x9c: {  	s7 =	simm.s32 $0x0;
	s20 =	sshll.u32 s5, $0x1;
	s5 =	sadd.s32 s21, s3  }
0x9d: {  	[timem:s7], [sflag:s22] =	dma.local [hbm:s5], s20  }
0x9e: {  	_ =	swait.ge [sflag:s22], s20  }
0x9f: {  	s4 =	ssub.s32 $0x0, s20;
	[sflag:s22] =	ssyncset.done $0x0  }
0xa0: {  	[sflag:s22] =	ssyncadd.s32 s4;
	_ =	sdelay $0x1  }
0xa1: {  	s23 =	simm.s32 $0x1B8B  }
0xa2: {  	_ =	swait.ge [sflag:s23], $0x1  }
0xa3: {  	[sflag:s23] =	ssyncset.done $0x0  }
0xa4: {  	s25 =	simm.s32 $0x1B8E;
	s24 =	sld [smem:$0x3FFE];
	[sflag:s23] =	ssyncadd.s32 $0xFFFFFFFF  }
0xa5: {  	s26 =	simm.s32 $execute0_lowered;
	[smem:$0x3FD2] =	sst s25  }
0xa6: {  	s5 =	sshll.u32 s26, $0x1;
	_ =	strace $0x80000046;
	[dreg:$0x1] =	wrdreg $0xFFFFFFFF  }
0xa7: {  	s28 =	simm.s32 $_size_execute0_lowered;
	s3 =	sadd.s32 s3, s5;
	[dreg:$0x0] =	wrdreg $0x0  }
0xa8: {  	s5 =	sshll.u32 s28, $0x1;
	[dreg:$0x2] =	wrdreg s3  }
0xa9: {  	[dreg:$0x3] =	wrdreg s5  }
0xaa: {  	[dreg:$0x4] =	wrdreg $0xC0  }
0xab: {  	_ =	task [dreg:s7], $0x5FFFF  }
0xac: {  	[dreg:$0x1] =	wrdreg $0xFFFFFFFF  }
0xad: {  	[dreg:$0x0] =	wrdreg $0x60  }
0xae: {  	[dreg:$0x2] =	wrdreg s2  }
0xaf: {  	[dreg:$0x3] =	wrdreg s24  }
0xb0: {  	[dreg:$0x4] =	wrdreg $0xE1000  }
0xb1: {  	[dreg:$0x5] =	wrdreg $0x9  }
0xb2: {  	_ =	task.clear_ibuf [dreg:s7], $0x6FFFF;
	_ =	strace $0x90000046  }
0xb3: {  	s29 =	simm.s32 $0x9;
	_ =	strace $0x80000048  }
0xb4: {  	_ =	swait.ge [sflag:s29], $0x1  }
0xb5: {  	[sflag:s29] =	ssyncadd.s32 $0xFFFFFFFF  }
0xb6: {  	_ =	strace $0x90000048  }
0xb7: {  	_ =	sfence  }
0xb8: {  	s30 =	sld [smem:$0x0];
	_ =	sdelay $0x2  }
0xb9: {  	s31 =	sshll.u32 s1, $0xD;
	s1 =	sshrl.u32 s1, $0x2  }
0xba: {  	s3 =	sand.u32 $0x4000, s31;
	s1 =	sadd.s32 s1, s30  }
0xbb: {  	s0 =	sor.u32 s3, s0;
	s1 =	sshll.u32 s1, $0x11  }
0xbc: {  	s0 =	sor.u32 s1, s0  }
0xbd: {  	s0 =	sadd.s32 $0x8F2B, s0  }
0xbe: {  	[sflag:s0] =	ssyncadd.remote.s32 $0x1  }
0xbf: {  	_ =	sfence.sel $0xFFFF  }
0xc0: {  	[dreg:$0x0] =	wrdreg $0xFFFFFFFF;
	(pc) =	sbr.abs _section_cstart, $3  }
0xc1: {  	[dreg:$0x1] =	wrdreg $0xFFFFFFFF  }
0xc2: {  	_ =	task.clear_ibuf [dreg:s7], $0x2FFFF;
	_ =	strace $0x9FFFFFFF  }
0xc3: {  	(tm) =	ssettm $0x7FFFFFFF  }
tec
execute0_lowered:
.L_overlay_start_1:
0x0: {  	(tag) =	ssettag $0x1  }
0x1: {  	s1 =	rddreg [dreg:$0x0]  }
0x2: {  	s0 =	rddreg [dreg:$0x1]  }
0x3: {  	s3 =	rddreg [dreg:$0x2];
	s4 =	simm.s32 $0x0  }
0x4: {  	s13 =	stileid.u32;
	s6 =	srdreg.scid;
	s30 =	simm.s32 $0x1  }
0x5: {  	s31 =	simm.s32 $0x2;
	s28 =	simm.s32 $0x200;
	s29 =	simm.s32 $0xA500  }
0x6: {  	[smem:$0x7FF] =	sst s4;
	s2 =	smul.u32 $0xA000, s13;
	s5 =	sadd.s32 $0xC200, s0  }
0x7: {  	s7 =	sadd.s32 $0x2400, s0;
	s6 =	sand.u32 $0x1, s6;
	s20 =	smul.u32 $0x28000, s13  }
0x8: {  	s9 =	sadd.s32 $0x2A000, s0;
	s10 =	sshrl.u32 s13, $0x2;
	s21 =	smul.u32 $0x4E20, s13  }
0x9: {  	s11 =	sshll.u32 s13, $0x8;
	s24 =	sshll.u32 s13, $0x6;
	s17 =	smul.u32 $0xA0000, s6  }
0xa: {  	_ =	strace $0x80000047;
	[dreg:$0xe] =	wrdreg s9;
	s18 =	smul.u32 $0xA000, s10  }
0xb: {  	s12 =	sshll.u32 s6, $0x7;
	s22 =	ssub.s32 $0x2, s6;
	s6 =	smul.u32 $0x2710, s6  }
0xc: {  	s8 =	sshrl.u32 s2, $0x3;
	s19 =	sor.u32 s12, s11;
	s23 =	sshrl.u32 s22, $0x1  }
0xd: {  	s11 =	sshrl.u32 s20, $0x2;
	s8 =	sadd.s32 s8, s0;
	s2 =	sadd.s32 s2, s17  }
0xe: {  	s10 =	sand.u32 $0x380, s19;
	s11 =	sadd.s32 s11, s3;
	s6 =	sadd.s32 s6, s21  }
0xf: {  	s17 =	sor.u32 $0x1C0B, s24;
	s2 =	sshrl.u32 s2, $0x3;
	s9 =	sor.u32 s18, s10  }
0x10: {  	[dreg:$0xf] =	wrdreg s11;
	s8 =	sadd.s32 $0x16000, s8;
	s10 =	sshrl.u32 s6, $0x3  }
0x11: {  	s26 =	sadd.s32 $0x140, s6;
	s14 =	sadd.s32 $0xF0, s6;
	s19 =	sadd.s32 $0xA0, s6  }
0x12: {  	s6 =	sadd.s32 $0x50, s6;
	s11 =	simm.s32 $0xA;
	[dreg:$0x11] =	wrdreg s17  }
0x13: {  	s2 =	sadd.s32 s2, s0;
	s9 =	sshrl.u32 s9, $0x3;
	[dreg:$0x10] =	wrdreg s8  }
0x14: {  	s25 =	sadd.s32 s10, s7;
	s10 =	sadd.s32 s10, s5;
	s12 =	sshrl.u32 s26, $0x3  }
0x15: {  	s16 =	sshrl.u32 s14, $0x3;
	s21 =	sshrl.u32 s19, $0x3;
	s6 =	sshrl.u32 s6, $0x3  }
0x16: {  	s19 =	simm.s32 $0x500;
	s0 =	sadd.s32 s9, s0;
	[dreg:$0x4] =	wrdreg s25  }
0x17: {  	s9 =	ssub.s32 s22, s23;
	[dreg:$0x5] =	wrdreg s10;
	s13 =	sadd.s32 s12, s7  }
0x18: {  	s15 =	sadd.s32 s12, s5;
	s18 =	sadd.s32 s16, s7;
	[dreg:$0x6] =	wrdreg s13  }
0x19: {  	s20 =	sadd.s32 s16, s5;
	s22 =	sadd.s32 s21, s7;
	[dreg:$0x7] =	wrdreg s15  }
0x1a: {  	s23 =	sadd.s32 s21, s5;
	s2 =	sadd.s32 $0x2A400, s2;
	[dreg:$0x8] =	wrdreg s18  }
0x1b: {  	s24 =	sadd.s32 s6, s7;
	s25 =	sadd.s32 s6, s5;
	[dreg:$0x9] =	wrdreg s20  }
0x1c: {  	s12 =	simm.s32 $0xB;
	s5 =	simm.s32 $0x5;
	[dreg:$0xa] =	wrdreg s22  }
0x1d: {  	s6 =	simm.s32 $0x6;
	s7 =	simm.s32 $0x7;
	[dreg:$0x12] =	wrdreg s2  }
0x1e: {  	s10 =	simm.s32 $0x9;
	s16 =	simm.s32 $0x0;
	[dreg:$0xb] =	wrdreg s23  }
0x1f: {  	s0 =	sadd.s32 $0x52400, s0;
	[dreg:$0xc] =	wrdreg s24;
	s26 =	smax.u32 s9, $0x1  }
0x20: {  	[dreg:$0xd] =	wrdreg s25;
	s13 =	simm.s32 $0xCD00;
	s15 =	simm.s32 $0x50  }
0x21: {  	s2 =	simm.s32 $0x4;
	s9 =	simm.s32 $0x8;
	s22 =	simm.s32 $0x380  }
0x22: {  	s23 =	simm.s32 $0x5500;
	s25 =	simm.s32 $0x180;
	s24 =	simm.s32 $0x480  }
0x23: {  	s20 =	simm.s32 $0x300;
	s18 =	simm.s32 $0x80;
	[dreg:$0x13] =	wrdreg s0  }
0x24: {  	v0 =	vimm.f32 $1.000000000e+00;
	[dreg:$0x14] =	wrdreg s26;
	s0 =	simm.s32 $0x3;
	s26 =	simm.s32 $0x7D00  }
.LBB2_1:
0x25: {  	[dreg:$0x15] =	wrdreg s16  }
0x26: {  	s8 =	rddreg [dreg:$0xf]  }
0x27: {  	s14 =	rddreg [dreg:$0x10];
	s8 =	sshrl.u32 s8, $0x3  }
0x28: {  	[dreg:$0x16] =	wrdreg s8  }
0x29: {  	[spmem:s8], [sflag:s17] =	dma.local [hbm:s14], $0x1400  }
0x2a: {  	_ =	swait.ge [sflag:s12], $0x1400  }
0x2b: {  	[sflag:s12] =	ssyncset.done $0x0  }
0x2c: {  	s21 =	rddreg [dreg:$0xe];
	[sflag:s12] =	ssyncadd.s32 $0xFFFFEC00  }
0x2d: {  	[tilespmem:s13], [sflag:$0xB] =	stream.linear.gather [hbm4b:s21+s4], $0x1400, $0x38;
	[tilespmem:$0x18100] =	vst v63  }
0x2e: {  	_ =	swait.ge [sflag:s12], $0x1400  }
0x2f: {  	[sflag:s12] =	ssyncset.done $0x0  }
0x30: {  	[sflag:s12] =	ssyncadd.s32 $0xFFFFEC00  }
0x31: {  	s8 =	simm.s32 $0x0;
	[bflag:$0x0] =	sbarrier.arrive $0xFFFF  }
.LBB2_2:
0x32: {  	s14 =	rddreg [dreg:$0x5]  }
0x33: {  	s14 =	sadd.s32 s8, s14  }
0x34: {  	[tilespmem:s4], [sflag:$0xB] =	stream.linear.gather [hbm4b:s14+s4], $0x50, $0x38;
	[tilespmem:$0x18100] =	vst v63  }
0x35: {  	_ =	swait.ge [sflag:s12], $0x50  }
0x36: {  	s17 =	rddreg [dreg:$0x4];
	[sflag:s12] =	ssyncset.done $0x0  }
0x37: {  	s16 =	simm.s32 $0x280;
	[sflag:s12] =	ssyncadd.s32 $0xFFFFFFB0;
	s14 =	sadd.s32 s8, s17  }
0x38: {  	[tilespmem:s16], [sflag:$0xB] =	stream.linear.gather [hbm4b:s14+s4], $0x50, $0x38;
	[tilespmem:$0x18100] =	vst v63  }
0x39: {  	_ =	swait.ge [sflag:s12], $0x50  }
0x3a: {  	[sflag:s12] =	ssyncset.done $0x0  }
0x3b: {  	s21 =	rddreg [dreg:$0xd];
	[sflag:s12] =	ssyncadd.s32 $0xFFFFFFB0  }
0x3c: {  	[tilespmem:s19], [sflag:$0x1] =	stream.indirect.gather [hbm4b:s1+s15], $0x80, s4, s15, $0xb8;
	[tilespmem:$0x18100] =	vst v63  }
0x3d: {  	s14 =	sadd.s32 s8, s21;
	s21 =	simm.s32 $0x80  }
0x3e: {  	[tilespmem:s21], [sflag:$0xB] =	stream.linear.gather [hbm4b:s14+s4], $0x50, $0x38;
	[tilespmem:$0x18100] =	vst v63  }
0x3f: {  	_ =	swait.ge [sflag:s12], $0x50  }
0x40: {  	s17 =	rddreg [dreg:$0xc];
	[sflag:s12] =	ssyncset.done $0x0  }
0x41: {  	[sflag:s12] =	ssyncadd.s32 $0xFFFFFFB0;
	s14 =	sadd.s32 s8, s17  }
0x42: {  	[tilespmem:s20], [sflag:$0xB] =	stream.linear.gather [hbm4b:s14+s4], $0x50, $0x38;
	[tilespmem:$0x18100] =	vst v63  }
0x43: {  	_ =	swait.ge [sflag:s12], $0x50  }
0x44: {  	[sflag:s12] =	ssyncset.done $0x0  }
0x45: {  	s17 =	simm.s32 $0x2D00;
	s14 =	rddreg [dreg:$0xb];
	[sflag:s12] =	ssyncadd.s32 $0xFFFFFFB0  }
0x46: {  	[tilespmem:s17], [sflag:$0x2] =	stream.indirect.gather [hbm4b:s1+s15], $0x80, s21, s15, $0xb8;
	[tilespmem:$0x18100] =	vst v63  }
0x47: {  	s14 =	sadd.s32 s8, s14;
	s21 =	simm.s32 $0x100  }
0x48: {  	[tilespmem:s21], [sflag:$0xB] =	stream.linear.gather [hbm4b:s14+s4], $0x50, $0x38;
	[tilespmem:$0x18100] =	vst v63  }
0x49: {  	_ =	swait.ge [sflag:s12], $0x50  }
0x4a: {  	s14 =	rddreg [dreg:$0xa];
	[sflag:s12] =	ssyncset.done $0x0  }
0x4b: {  	[sflag:s12] =	ssyncadd.s32 $0xFFFFFFB0;
	s14 =	sadd.s32 s8, s14  }
0x4c: {  	[tilespmem:s22], [sflag:$0xB] =	stream.linear.gather [hbm4b:s14+s4], $0x50, $0x38;
	[tilespmem:$0x18100] =	vst v63  }
0x4d: {  	_ =	swait.ge [sflag:s12], $0x50  }
0x4e: {  	[sflag:s12] =	ssyncset.done $0x0  }
0x4f: {  	s14 =	rddreg [dreg:$0x9];
	[sflag:s12] =	ssyncadd.s32 $0xFFFFFFB0  }
0x50: {  	[tilespmem:s23], [sflag:$0x3] =	stream.indirect.gather [hbm4b:s1+s15], $0x80, s21, s15, $0xb8;
	[tilespmem:$0x18100] =	vst v63  }
0x51: {  	s14 =	sadd.s32 s8, s14  }
0x52: {  	[tilespmem:s25], [sflag:$0xB] =	stream.linear.gather [hbm4b:s14+s4], $0x50, $0x38;
	[tilespmem:$0x18100] =	vst v63  }
0x53: {  	_ =	swait.ge [sflag:s12], $0x50  }
0x54: {  	s21 =	rddreg [dreg:$0x8];
	[sflag:s12] =	ssyncset.done $0x0  }
0x55: {  	[sflag:s12] =	ssyncadd.s32 $0xFFFFFFB0;
	s14 =	sadd.s32 s8, s21;
	s21 =	simm.s32 $0x400  }
0x56: {  	[tilespmem:s21], [sflag:$0xB] =	stream.linear.gather [hbm4b:s14+s4], $0x50, $0x38;
	[tilespmem:$0x18100] =	vst v63  }
0x57: {  	_ =	swait.ge [sflag:s12], $0x50  }
0x58: {  	[sflag:s12] =	ssyncset.done $0x0  }
0x59: {  	s14 =	rddreg [dreg:$0x7];
	[sflag:s12] =	ssyncadd.s32 $0xFFFFFFB0  }
0x5a: {  	[tilespmem:s26], [sflag:$0x4] =	stream.indirect.gather [hbm4b:s1+s15], $0x80, s25, s15, $0xb8;
	[tilespmem:$0x18100] =	vst v63  }
0x5b: {  	s14 =	sadd.s32 s8, s14  }
0x5c: {  	[tilespmem:s28], [sflag:$0xB] =	stream.linear.gather [hbm4b:s14+s4], $0x50, $0x38;
	[tilespmem:$0x18100] =	vst v63  }
0x5d: {  	_ =	swait.ge [sflag:s12], $0x50  }
0x5e: {  	s14 =	rddreg [dreg:$0x6];
	[sflag:s12] =	ssyncset.done $0x0  }
0x5f: {  	[sflag:s12] =	ssyncadd.s32 $0xFFFFFFB0;
	s14 =	sadd.s32 s8, s14  }
0x60: {  	[tilespmem:s24], [sflag:$0xB] =	stream.linear.gather [hbm4b:s14+s4], $0x50, $0x38;
	[tilespmem:$0x18100] =	vst v63  }
0x61: {  	_ =	swait.ge [sflag:s12], $0x50  }
0x62: {  	[sflag:s12] =	ssyncset.done $0x0  }
0x63: {  	[sflag:s12] =	ssyncadd.s32 $0xFFFFFFB0  }
0x64: {  	[tilespmem:s29], [sflag:$0x5] =	stream.indirect.gather [hbm4b:s1+s15], $0x80, s28, s15, $0xb8;
	[tilespmem:$0x18100] =	vst v63  }
0x65: {  	_ =	swait.ge [sflag:s30], $0x2800  }
0x66: {  	[sflag:s30] =	ssyncset.done $0x0  }
0x67: {  	[sflag:s30] =	ssyncadd.s32 $0xFFFFD800  }
0x68: {  	[spmem:s3] =	stream.indirect.scatter.add.f32 [tilespmem:s19], [sflag:$0x6], $0x80, s16, s15, $0xb8;
	[tilespmem:$0x18100] =	vst v63  }
0x69: {  	v1 =	vld [tilespmem:$0x280];
	_ =	sdelay $0x7  }
0x6a: {  	[tilespmem:v1+s13+$0x0] =	vst.idx.add.f32.msk $0xffff, v0  }
0x6b: {  	v1 =	vld [tilespmem:$0x290];
	_ =	sdelay $0x7  }
0x6c: {  	[tilespmem:v1+s13+$0x0] =	vst.idx.add.f32.msk $0xffff, v0  }
0x6d: {  	v1 =	vld [tilespmem:$0x2A0];
	_ =	sdelay $0x7  }
0x6e: {  	[tilespmem:v1+s13+$0x0] =	vst.idx.add.f32.msk $0xffff, v0  }
0x6f: {  	v1 =	vld [tilespmem:$0x2B0];
	_ =	sdelay $0x7  }
0x70: {  	[tilespmem:v1+s13+$0x0] =	vst.idx.add.f32.msk $0xffff, v0  }
0x71: {  	v1 =	vld [tilespmem:$0x2C0];
	_ =	sdelay $0x7  }
0x72: {  	[tilespmem:v1+s13+$0x0] =	vst.idx.add.f32.msk $0xffff, v0  }
0x73: {  	_ =	swait.ge [sflag:s31], $0x2800  }
0x74: {  	[sflag:s31] =	ssyncset.done $0x0  }
0x75: {  	[sflag:s31] =	ssyncadd.s32 $0xFFFFD800  }
0x76: {  	[spmem:s3] =	stream.indirect.scatter.add.f32 [tilespmem:s17], [sflag:$0x7], $0x80, s20, s15, $0xb8;
	[tilespmem:$0x18100] =	vst v63  }
0x77: {  	v1 =	vld [tilespmem:$0x300];
	_ =	sdelay $0x7  }
0x78: {  	[tilespmem:v1+s13+$0x0] =	vst.idx.add.f32.msk $0xffff, v0  }
0x79: {  	v1 =	vld [tilespmem:$0x310];
	_ =	sdelay $0x7  }
0x7a: {  	[tilespmem:v1+s13+$0x0] =	vst.idx.add.f32.msk $0xffff, v0  }
0x7b: {  	v1 =	vld [tilespmem:$0x320];
	_ =	sdelay $0x7  }
0x7c: {  	[tilespmem:v1+s13+$0x0] =	vst.idx.add.f32.msk $0xffff, v0  }
0x7d: {  	v1 =	vld [tilespmem:$0x330];
	_ =	sdelay $0x7  }
0x7e: {  	[tilespmem:v1+s13+$0x0] =	vst.idx.add.f32.msk $0xffff, v0  }
0x7f: {  	v1 =	vld [tilespmem:$0x340];
	_ =	sdelay $0x7  }
0x80: {  	[tilespmem:v1+s13+$0x0] =	vst.idx.add.f32.msk $0xffff, v0  }
0x81: {  	_ =	swait.ge [sflag:s0], $0x2800  }
0x82: {  	[sflag:s0] =	ssyncset.done $0x0  }
0x83: {  	[sflag:s0] =	ssyncadd.s32 $0xFFFFD800  }
0x84: {  	[spmem:s3] =	stream.indirect.scatter.add.f32 [tilespmem:s23], [sflag:$0x8], $0x80, s22, s15, $0xb8;
	[tilespmem:$0x18100] =	vst v63  }
0x85: {  	v1 =	vld [tilespmem:$0x380];
	_ =	sdelay $0x7  }
0x86: {  	[tilespmem:v1+s13+$0x0] =	vst.idx.add.f32.msk $0xffff, v0  }
0x87: {  	v1 =	vld [tilespmem:$0x390];
	_ =	sdelay $0x7  }
0x88: {  	[tilespmem:v1+s13+$0x0] =	vst.idx.add.f32.msk $0xffff, v0  }
0x89: {  	v1 =	vld [tilespmem:$0x3A0];
	_ =	sdelay $0x7  }
0x8a: {  	[tilespmem:v1+s13+$0x0] =	vst.idx.add.f32.msk $0xffff, v0  }
0x8b: {  	v1 =	vld [tilespmem:$0x3B0];
	_ =	sdelay $0x7  }
0x8c: {  	[tilespmem:v1+s13+$0x0] =	vst.idx.add.f32.msk $0xffff, v0  }
0x8d: {  	v1 =	vld [tilespmem:$0x3C0];
	_ =	sdelay $0x7  }
0x8e: {  	[tilespmem:v1+s13+$0x0] =	vst.idx.add.f32.msk $0xffff, v0  }
0x8f: {  	_ =	swait.ge [sflag:s2], $0x2800  }
0x90: {  	[sflag:s2] =	ssyncset.done $0x0  }
0x91: {  	[sflag:s2] =	ssyncadd.s32 $0xFFFFD800  }
0x92: {  	[spmem:s3] =	stream.indirect.scatter.add.f32 [tilespmem:s26], [sflag:$0x9], $0x80, s21, s15, $0xb8;
	[tilespmem:$0x18100] =	vst v63  }
0x93: {  	v1 =	vld [tilespmem:$0x400];
	_ =	sdelay $0x7  }
0x94: {  	[tilespmem:v1+s13+$0x0] =	vst.idx.add.f32.msk $0xffff, v0  }
0x95: {  	v1 =	vld [tilespmem:$0x410];
	_ =	sdelay $0x7  }
0x96: {  	[tilespmem:v1+s13+$0x0] =	vst.idx.add.f32.msk $0xffff, v0  }
0x97: {  	v1 =	vld [tilespmem:$0x420];
	_ =	sdelay $0x7  }
0x98: {  	[tilespmem:v1+s13+$0x0] =	vst.idx.add.f32.msk $0xffff, v0  }
0x99: {  	v1 =	vld [tilespmem:$0x430];
	_ =	sdelay $0x7  }
0x9a: {  	[tilespmem:v1+s13+$0x0] =	vst.idx.add.f32.msk $0xffff, v0  }
0x9b: {  	v1 =	vld [tilespmem:$0x440];
	_ =	sdelay $0x7  }
0x9c: {  	[tilespmem:v1+s13+$0x0] =	vst.idx.add.f32.msk $0xffff, v0  }
0x9d: {  	_ =	swait.ge [sflag:s5], $0x2800  }
0x9e: {  	[sflag:s5] =	ssyncset.done $0x0  }
0x9f: {  	[sflag:s5] =	ssyncadd.s32 $0xFFFFD800  }
0xa0: {  	[spmem:s3] =	stream.indirect.scatter.add.f32 [tilespmem:s29], [sflag:$0xA], $0x80, s24, s15, $0xb8;
	[tilespmem:$0x18100] =	vst v63  }
0xa1: {  	v1 =	vld [tilespmem:$0x480];
	_ =	sdelay $0x7  }
0xa2: {  	[tilespmem:v1+s13+$0x0] =	vst.idx.add.f32.msk $0xffff, v0  }
0xa3: {  	v1 =	vld [tilespmem:$0x490];
	_ =	sdelay $0x7  }
0xa4: {  	[tilespmem:v1+s13+$0x0] =	vst.idx.add.f32.msk $0xffff, v0  }
0xa5: {  	v1 =	vld [tilespmem:$0x4A0];
	_ =	sdelay $0x7  }
0xa6: {  	[tilespmem:v1+s13+$0x0] =	vst.idx.add.f32.msk $0xffff, v0  }
0xa7: {  	v1 =	vld [tilespmem:$0x4B0];
	_ =	sdelay $0x7  }
0xa8: {  	[tilespmem:v1+s13+$0x0] =	vst.idx.add.f32.msk $0xffff, v0  }
0xa9: {  	v1 =	vld [tilespmem:$0x4C0];
	_ =	sdelay $0x7  }
0xaa: {  	[tilespmem:v1+s13+$0x0] =	vst.idx.add.f32.msk $0xffff, v0  }
0xab: {  	_ =	swait.ge [sflag:s6], $0x2800  }
0xac: {  	[sflag:s6] =	ssyncset.done $0x0  }
0xad: {  	[sflag:s6] =	ssyncadd.s32 $0xFFFFD800  }
0xae: {  	_ =	swait.ge [sflag:s7], $0x2800  }
0xaf: {  	[sflag:s7] =	ssyncset.done $0x0  }
0xb0: {  	[sflag:s7] =	ssyncadd.s32 $0xFFFFD800  }
0xb1: {  	_ =	swait.ge [sflag:s9], $0x2800  }
0xb2: {  	[sflag:s9] =	ssyncset.done $0x0  }
0xb3: {  	[sflag:s9] =	ssyncadd.s32 $0xFFFFD800  }
0xb4: {  	p0 =	sne.s32 s8, $0x4B0;
	_ =	swait.ge [sflag:s10], $0x2800  }
.Ltmp0:
0xb5: {  	[sflag:s10] =	ssyncset.done $0x0;
	(pc) =	sbr.rel @p0 .LBB2_2-.Ltmp0, $4  }
0xb6: {  	[sflag:s10] =	ssyncadd.s32 $0xFFFFD800  }
0xb7: {  	_ =	swait.ge [sflag:s11], $0x2800  }
0xb8: {  	[sflag:s11] =	ssyncset.done $0x0  }
0xb9: {  	s8 =	sadd.s32 $0x32, s8;
	s14 =	simm.s32 $0x400;
	[sflag:s11] =	ssyncadd.s32 $0xFFFFD800  }
0xba: {  	[bflag:$0x0] =	sbarrier.arrive $0xFFFF  }
0xbb: {  	s17 =	rddreg [dreg:$0x11]  }
0xbc: {  	s8 =	rddreg [dreg:$0x12]  }
0xbd: {  	s16 =	rddreg [dreg:$0x16]  }
0xbe: {  	[hbm:s8], [sflag:s17] =	dma.local [spmem:s16], $0x1400  }
0xbf: {  	_ =	swait.ge [sflag:s12], $0x1400  }
0xc0: {  	[sflag:s12] =	ssyncset.done $0x0  }
0xc1: {  	s21 =	rddreg [dreg:$0x13];
	[sflag:s12] =	ssyncadd.s32 $0xFFFFEC00  }
0xc2: {  	[hbm4b:s21+s18] =	stream.strided.scatter [tilespmem:s13], [sflag:$0xB], $0x1400, s14, s18, $0x38;
	[tilespmem:$0x18100] =	vst v63  }
0xc3: {  	_ =	swait.ge [sflag:s12], $0x1400  }
0xc4: {  	s14 =	rddreg [dreg:$0x15]  }
0xc5: {  	s21 =	rddreg [dreg:$0x14];
	s16 =	sadd.s32 $0x1, s14  }
0xc6: {  	p0 =	sne.s32 s16, s21  }
.Ltmp1:
0xc7: {  	_ = 	snop;
	(pc) =	sbr.rel @p0 .LBB2_1-.Ltmp1, $3  }
0xc8: {  	_ =	sdelay $0x1  }
0xc9: {  	[sflag:s12] =	ssyncset.done $0x0  }
0xca: {  	[sflag:s12] =	ssyncadd.s32 $0xFFFFEC00  }
0xcb: {  	_ =	sfence.sel $0x180000  }
0xcc: {  	[bflag:$0x0] =	sbarrier.arrive $0xFFFF  }
0xcd: {  	_ =	strace $0x90000047  }
0xce: {  	s0 =	stileid.u32;
	[bflag:$0x2] =	sbarrier.arrive $0xFFFF  }
0xcf: {  	p0 =	sne.s32 s0, $0x0;
	s0 =	rddreg [dreg:$0x3]  }
0xd0: {  	s0 =	sadd.s32 @!p0 $0x100000, s0  }
0xd1: {  	[sflag:s0] =	ssyncadd.tile.s32 @!p0 $0x1;
	_ =	shalt  }
.Lfunc_end2:
_tile_overlayer_lowered:
.L_overlay_start_2:
0xd2: {  	(tag) =	ssettag $0x2  }
0xd3: {  	s0 =	rddreg [dreg:$0x0];
	s2 =	stileid.u32  }
0xd4: {  	s1 =	rddreg [dreg:$0x1];
	p0 =	sne.s32 s2, $0x0  }
0xd5: {  	s3 =	rddreg [dreg:$0x2];
	[bflag:$0x3] =	sbarrier.arrive $0xFFFF;
	s2 =	simm.s32 @!p0 $0x1C0B  }
0xd6: {  	[timem:s3], [sflag:s2] =	dma.local @!p0 [hbm:s0], s1  }
0xd7: {  	s0 =	simm.s32 @!p0 $0xB  }
0xd8: {  	_ =	swait.ge @!p0 [sflag:s0], s1  }
0xd9: {  	s1 =	ssub.s32 @!p0 $0x0, s1;
	[sflag:s0] =	ssyncset.done @!p0 $0x0  }
0xda: {  	[sflag:s0] =	ssyncadd.s32 @!p0 s1  }
0xdb: {  	[bflag:$0x3] =	sbarrier.arrive $0xFFFF  }
0xdc: {  	_ =	shalt  }

// kernel: kernel.9.cloned.1.call-start
scs
__scs_entry_jumppad:
0x0: {  	(pc) =	sbr.rel $0x88, $3  }
0x1: {  	(tag) =	ssettag $0x0;
	lr =	simm.s32 $0x1  }
0x2: {  	[smem:$0x3F96] =	sst lr;
	_ =	strace $0xD0000000  }
0x3: {  	_ = 	snop  }
0x4: {  	_ = 	snop  }
0x5: {  	_ = 	snop  }
0x6: {  	_ = 	snop  }
0x7: {  	_ = 	snop  }
__scs_overlays_trampoline_lowered:
0x8: {  	[smem:$0x3FA5] =	sst s0  }
0x9: {  	[smem:$0x3FA6] =	sst s1  }
0xa: {  	[smem:$0x3FA7] =	sst s2  }
0xb: {  	[smem:$0x3FA8] =	sst s3  }
0xc: {  	[smem:$0x3FA9] =	sst s4  }
0xd: {  	[smem:$0x3FAA] =	sst s5  }
0xe: {  	[smem:$0x3FAB] =	sst s6  }
0xf: {  	[smem:$0x3FAC] =	sst s7  }
0x10: {  	[smem:$0x3FAD] =	sst s8  }
0x11: {  	[smem:$0x3FAE] =	sst s9;
	s0 =	simm.s32 @!p0 $0x0  }
0x12: {  	s1 =	sld [smem:$0x3F94];
	s0 =	simm.s32 @p0 $0x1  }
0x13: {  	[smem:$0x3FAF] =	sst s0;
	s0 =	simm.s32 @!p1 $0x0  }
0x14: {  	s2 =	sld [smem:$0x3F93];
	s0 =	simm.s32 @p1 $0x1  }
0x15: {  	[smem:$0x3FB0] =	sst s0;
	s0 =	simm.s32 @!p2 $0x0  }
0x16: {  	s3 =	sld [smem:$0x3FDB];
	s0 =	simm.s32 @p2 $0x1  }
0x17: {  	s4 =	simm.s32 $0x1BF5;
	[smem:$0x3FB2] =	sst s0  }
0x18: {  	s0 =	sld [smem:$0x3F95];
	_ =	swait.ge [sflag:s4], $0x0  }
0x19: {  	s7 =	sld [smem:$0x3F96]  }
0x1a: {  	s8 =	sadd.s32 $0xFFFFE003, lr  }
0x1b: {  	s9 =	sadd.s32 $0xFFFFFEF7, lr;
	s5 =	simm.s32 $0xFFFFFFFF;
	p2 =	slt.u32 s8, $0xFFFFF086  }
0x1c: {  	p1 =	slt.u32 s9, $0xF7A;
	s5 =	simm.s32 @!p2 $0x0  }
0x1d: {  	s5 =	simm.s32 @p1 $0x1;
	p0 =	seq.s32 s7, s2  }
0x1e: {  	s7 =	smul.u32 @!p0 $0xF7A, s2;
	p2 =	seq.s32 @!p0 s5, $0x0  }
0x1f: {  	s9 =	smul.u32 $0xF7A, s1;
	s8 =	simm.s32 @!p0 $0x1BF5;
	p2 =	por !p2, p0  }
0x20: {  	[sflag:s8] =	ssyncset.s32 @!p0 $0xFFFFF086;
	s6 =	sadd.s32 @!p0 s3, s7;
	s7 =	simm.s32 @!p0 $0x108  }
0x21: {  	s3 =	sadd.s32 s3, s9;
	s6 =	sadd.s32 @!p0 $0x88, s6;
	s7 =	simm.s32 @p2 $0x1082  }
0x22: {  	[simem:s7], [sflag:s8] =	dma.local @!p0 [hbm:s6], $0xF7A  }
0x23: {  	s9 =	sor.u32 $0xD0000000, s2;
	s6 =	simm.s32 $0x108;
	_ =	swait.ge @!p0 [sflag:s8], $0x0  }
0x24: {  	s3 =	sadd.s32 $0x88, s3;
	s6 =	simm.s32 @!p1 $0x1082;
	[sflag:s4] =	ssyncset.s32 $0xFFFFF086  }
0x25: {  	[simem:s6], [sflag:s4] =	dma.local [hbm:s3], $0xF7A  }
0x26: {  	[smem:$0x3F96] =	sst s1;
	(tag) =	ssettag s2;
	_ =	strace s9  }
0x27: {  	s1 =	sld [smem:$0x3FA6]  }
0x28: {  	s2 =	sld [smem:$0x3FA7]  }
0x29: {  	s4 =	sld [smem:$0x3FA9]  }
0x2a: {  	p0 =	seq.s32 s5, $0x0;
	s5 =	sld [smem:$0x3FAA]  }
0x2b: {  	s6 =	sld [smem:$0x3FAB]  }
0x2c: {  	s7 =	sld [smem:$0x3FAC]  }
0x2d: {  	s3 =	simm.s32 $0x108;
	s8 =	sld [smem:$0x3FAD]  }
0x2e: {  	s3 =	simm.s32 @!p0 $0x1082;
	s9 =	sld [smem:$0x3FAE]  }
0x2f: {  	lr =	sadd.s32 s0, s3;
	s0 =	sld [smem:$0x3FA5]  }
0x30: {  	s3 =	sld [smem:$0x3FA8]  }
0x31: {  	[smem:$0x3FB1] =	sst s10  }
0x32: {  	s10 =	sld [smem:$0x3FAF];
	_ =	sdelay $0x3  }
0x33: {  	p0 =	seq.s32 s10, $0x1;
	s10 =	sld [smem:$0x3FB1];
	_ =	sdelay $0x3  }
0x34: {  	[smem:$0x3FB1] =	sst s10  }
0x35: {  	s10 =	sld [smem:$0x3FB0];
	_ =	sdelay $0x3  }
0x36: {  	p1 =	seq.s32 s10, $0x1;
	s10 =	sld [smem:$0x3FB1];
	_ =	sdelay $0x3  }
0x37: {  	[smem:$0x3FB1] =	sst s10  }
0x38: {  	s10 =	sld [smem:$0x3FB2]  }
0x39: {  	_ = 	snop;
	(pc) =	sbr.ind lr, $3  }
0x3a: {  	_ = 	snop  }
0x3b: {  	_ = 	snop  }
0x3c: {  	p2 =	seq.s32 s10, $0x1;
	s10 =	sld [smem:$0x3FB1]  }
0x3d: {  	_ =	shalt  }
0x3e: {  	_ =	shalt  }
0x3f: {  	_ =	shalt  }
0x40: {  	_ =	shalt  }
0x41: {  	_ =	shalt  }
0x42: {  	_ =	shalt  }
0x43: {  	_ =	shalt  }
0x44: {  	_ =	shalt  }
0x45: {  	_ =	shalt  }
0x46: {  	_ =	shalt  }
0x47: {  	_ =	shalt  }
0x48: {  	_ =	shalt  }
0x49: {  	_ =	shalt  }
0x4a: {  	_ =	shalt  }
0x4b: {  	_ =	shalt  }
0x4c: {  	_ =	shalt  }
0x4d: {  	_ =	shalt  }
0x4e: {  	_ =	shalt  }
0x4f: {  	_ =	shalt  }
0x50: {  	_ =	shalt  }
0x51: {  	_ =	shalt  }
0x52: {  	_ =	shalt  }
0x53: {  	_ =	shalt  }
0x54: {  	_ =	shalt  }
0x55: {  	_ =	shalt  }
0x56: {  	_ =	shalt  }
0x57: {  	_ =	shalt  }
0x58: {  	_ =	shalt  }
0x59: {  	_ =	shalt  }
0x5a: {  	_ =	shalt  }
0x5b: {  	_ =	shalt  }
0x5c: {  	_ =	shalt  }
0x5d: {  	_ =	shalt  }
0x5e: {  	_ =	shalt  }
0x5f: {  	_ =	shalt  }
0x60: {  	_ =	shalt  }
0x61: {  	_ =	shalt  }
0x62: {  	_ =	shalt  }
0x63: {  	_ =	shalt  }
0x64: {  	_ =	shalt  }
0x65: {  	_ =	shalt  }
0x66: {  	_ =	shalt  }
0x67: {  	_ =	shalt  }
0x68: {  	_ =	shalt  }
0x69: {  	_ =	shalt  }
0x6a: {  	_ =	shalt  }
0x6b: {  	_ =	shalt  }
0x6c: {  	_ =	shalt  }
0x6d: {  	_ =	shalt  }
0x6e: {  	_ =	shalt  }
0x6f: {  	_ =	shalt  }
0x70: {  	_ =	shalt  }
0x71: {  	_ =	shalt  }
0x72: {  	_ =	shalt  }
0x73: {  	_ =	shalt  }
0x74: {  	_ =	shalt  }
0x75: {  	_ =	shalt  }
0x76: {  	_ =	shalt  }
0x77: {  	_ =	shalt  }
0x78: {  	_ =	shalt  }
0x79: {  	_ =	shalt  }
0x7a: {  	_ =	shalt  }
0x7b: {  	_ =	shalt  }
0x7c: {  	_ =	shalt  }
0x7d: {  	_ =	shalt  }
0x7e: {  	_ =	shalt  }
0x7f: {  	_ =	shalt  }
0x80: {  	_ =	shalt  }
0x81: {  	_ =	shalt  }
0x82: {  	_ =	shalt  }
0x83: {  	_ =	shalt  }
0x84: {  	_ =	shalt  }
0x85: {  	_ =	shalt  }
0x86: {  	_ =	shalt  }
0x87: {  	_ =	shalt  }
.Lfunc_end0:
.L_simem_size_0:
called_computation.1_lowered:
.L_overlay_start_0:
0x88: {  	s2 =	sld [smem:$0x3FD9]  }
0x89: {  	s3 =	sld [smem:$0x3FFE];
	_ =	sdelay $0x1  }
0x8a: {  	s1 =	srdreg.scid  }
0x8b: {  	s0 =	sand.u32 $0x1, s1  }
0x8c: {  	s17 =	sshll.u32 s0, $0xA;
	s2 =	sadd.s32 s3, s2  }
0x8d: {  	s2 =	sadd.s32 s2, s17  }
0x8e: {  	[smem:$0x3FBD] =	sst s2  }
0x8f: {  	_ = 	snop  }
0x90: {  	s2 =	sld [smem:$0x3FD0];
	(tm) =	ssettm $0x1  }
0x91: {  	s18 =	sld [smem:$0x3FFB];
	_ =	sdelay $0x3  }
0x92: {  	_ =	strace s18  }
0x93: {  	s3 =	sld [smem:$0x3FFC];
	_ =	sdelay $0x3  }
0x94: {  	_ =	strace s3  }
0x95: {  	s3 =	sld [smem:$0x3FFD];
	_ =	sdelay $0x3  }
0x96: {  	_ =	strace s3  }
0x97: {  	_ =	strace $0x8FFFFFFF  }
0x98: {  	s19 =	sld [smem:$0x3FDB];
	_ =	sdelay $0x1  }
0x99: {  	s4 =	simm.s32 $_scs_section_size  }
0x9a: {  	s5 =	simm.s32 $_size__tile_overlayer_lowered;
	s6 =	simm.s32 $_tile_overlayer_lowered  }
0x9b: {  	s22 =	simm.s32 $0x1BFF;
	s21 =	sshll.u32 s6, $0x1;
	s3 =	sadd.s32 s4, s19  }
0x9c: {  	s7 =	simm.s32 $0x0;
	s20 =	sshll.u32 s5, $0x1;
	s5 =	sadd.s32 s21, s3  }
0x9d: {  	[timem:s7], [sflag:s22] =	dma.local [hbm:s5], s20  }
0x9e: {  	_ =	swait.ge [sflag:s22], s20  }
0x9f: {  	s4 =	ssub.s32 $0x0, s20;
	[sflag:s22] =	ssyncset.done $0x0  }
0xa0: {  	[sflag:s22] =	ssyncadd.s32 s4;
	_ =	sdelay $0x1  }
0xa1: {  	s23 =	simm.s32 $0x1B8B  }
0xa2: {  	_ =	swait.ge [sflag:s23], $0x1  }
0xa3: {  	[sflag:s23] =	ssyncset.done $0x0  }
0xa4: {  	s25 =	simm.s32 $0x1B8E;
	s24 =	sld [smem:$0x3FFE];
	[sflag:s23] =	ssyncadd.s32 $0xFFFFFFFF  }
0xa5: {  	s26 =	simm.s32 $execute0_lowered;
	[smem:$0x3FD2] =	sst s25  }
0xa6: {  	s5 =	sshll.u32 s26, $0x1;
	_ =	strace $0x80000049;
	[dreg:$0x1] =	wrdreg $0xFFFFFFFF  }
0xa7: {  	s28 =	simm.s32 $_size_execute0_lowered;
	s3 =	sadd.s32 s3, s5;
	[dreg:$0x0] =	wrdreg $0x0  }
0xa8: {  	s5 =	sshll.u32 s28, $0x1;
	[dreg:$0x2] =	wrdreg s3  }
0xa9: {  	[dreg:$0x3] =	wrdreg s5  }
0xaa: {  	[dreg:$0x4] =	wrdreg $0xC0  }
0xab: {  	_ =	task [dreg:s7], $0x5FFFF  }
0xac: {  	[dreg:$0x1] =	wrdreg $0xFFFFFFFF  }
0xad: {  	[dreg:$0x0] =	wrdreg $0x60  }
0xae: {  	[dreg:$0x2] =	wrdreg s24  }
0xaf: {  	[dreg:$0x3] =	wrdreg s2  }
0xb0: {  	[dreg:$0x4] =	wrdreg $0xD1000  }
0xb1: {  	[dreg:$0x5] =	wrdreg $0x9  }
0xb2: {  	_ =	task.clear_ibuf [dreg:s7], $0x6FFFF;
	_ =	strace $0x90000049  }
0xb3: {  	s29 =	simm.s32 $0x9;
	_ =	strace $0x8000004B  }
0xb4: {  	_ =	swait.ge [sflag:s29], $0x1  }
0xb5: {  	[sflag:s29] =	ssyncadd.s32 $0xFFFFFFFF  }
0xb6: {  	_ =	strace $0x9000004B  }
0xb7: {  	_ =	sfence  }
0xb8: {  	s30 =	sld [smem:$0x0];
	_ =	sdelay $0x2  }
0xb9: {  	s31 =	sshll.u32 s1, $0xD;
	s1 =	sshrl.u32 s1, $0x2  }
0xba: {  	s3 =	sand.u32 $0x4000, s31;
	s1 =	sadd.s32 s1, s30  }
0xbb: {  	s0 =	sor.u32 s3, s0;
	s1 =	sshll.u32 s1, $0x11  }
0xbc: {  	s0 =	sor.u32 s1, s0  }
0xbd: {  	s0 =	sadd.s32 $0x8F2B, s0  }
0xbe: {  	[sflag:s0] =	ssyncadd.remote.s32 $0x1  }
0xbf: {  	_ =	sfence.sel $0xFFFF  }
0xc0: {  	[dreg:$0x0] =	wrdreg $0xFFFFFFFF;
	(pc) =	sbr.abs _section_cstart, $3  }
0xc1: {  	[dreg:$0x1] =	wrdreg $0xFFFFFFFF  }
0xc2: {  	_ =	task.clear_ibuf [dreg:s7], $0x2FFFF;
	_ =	strace $0x9FFFFFFF  }
0xc3: {  	(tm) =	ssettm $0x7FFFFFFF  }
tec
execute0_lowered:
.L_overlay_start_1:
0x0: {  	(tag) =	ssettag $0x1  }
0x1: {  	s0 =	rddreg [dreg:$0x0]  }
0x2: {  	s3 =	rddreg [dreg:$0x1]  }
0x3: {  	s1 =	rddreg [dreg:$0x2];
	s2 =	simm.s32 $0x0;
	s13 =	stileid.u32  }
0x4: {  	s20 =	srdreg.scid;
	s30 =	simm.s32 $0x1;
	s31 =	simm.s32 $0x2  }
0x5: {  	s28 =	simm.s32 $0x200;
	s29 =	simm.s32 $0xA500;
	[smem:$0x7FF] =	sst s2  }
0x6: {  	s4 =	sadd.s32 $0x2400, s0;
	s5 =	sadd.s32 $0x57400, s0;
	s6 =	sadd.s32 $0x19E00, s0  }
0x7: {  	s7 =	sshll.u32 s13, $0xA;
	s8 =	sshll.u32 s13, $0x8;
	s10 =	sshll.u32 s13, $0xD  }
0x8: {  	s23 =	smul.u32 $0xFA0, s13;
	s24 =	sshll.u32 s13, $0x6;
	s25 =	sshll.u32 s13, $0x5  }
0x9: {  	_ =	strace $0x8000004A;
	[dreg:$0xe] =	wrdreg s6;
	s6 =	sand.u32 $0x1, s20  }
0xa: {  	s7 =	sadd.s32 s7, s0;
	s8 =	sand.u32 $0xC00, s8;
	s22 =	sadd.s32 s10, s1  }
0xb: {  	s17 =	sor.u32 $0x1C0B, s24;
	s10 =	simm.s32 $0x9;
	s9 =	ssub.s32 $0x2, s6  }
0xc: {  	s0 =	sadd.s32 s8, s0;
	[dreg:$0xf] =	wrdreg s22;
	s11 =	sshll.u32 s6, $0xE  }
0xd: {  	s12 =	smul.u32 $0x7D0, s6;
	s14 =	sadd.s32 $0x15E00, s7;
	[dreg:$0x11] =	wrdreg s17  }
0xe: {  	s6 =	sshll.u32 s6, $0x4;
	s21 =	sshrl.u32 s9, $0x1;
	[dreg:$0x10] =	wrdreg s14  }
0xf: {  	s7 =	sadd.s32 s11, s7;
	s6 =	sor.u32 s6, s25;
	s8 =	ssub.s32 s9, s21  }
0x10: {  	s9 =	sadd.s32 s12, s23;
	s7 =	sadd.s32 $0x1A000, s7;
	s6 =	sand.u32 $0x70, s6  }
0x11: {  	[dreg:$0x12] =	wrdreg s7;
	s26 =	sshrl.u32 s9, $0x3;
	s12 =	sadd.s32 $0x140, s9  }
0x12: {  	s15 =	sadd.s32 $0xF0, s9;
	s20 =	sadd.s32 $0xA0, s9;
	s9 =	sadd.s32 $0x50, s9  }
0x13: {  	s0 =	sadd.s32 s6, s0;
	s6 =	simm.s32 $0x6;
	s11 =	sadd.s32 s26, s3  }
0x14: {  	s7 =	sadd.s32 s26, s5;
	s13 =	sshrl.u32 s12, $0x3;
	s18 =	sshrl.u32 s15, $0x3  }
0x15: {  	s22 =	sshrl.u32 s20, $0x3;
	s9 =	sshrl.u32 s9, $0x3;
	[dreg:$0x4] =	wrdreg s11  }
0x16: {  	s0 =	sadd.s32 $0x22000, s0;
	s26 =	smax.u32 s8, $0x1;
	[dreg:$0x5] =	wrdreg s7  }
0x17: {  	s12 =	simm.s32 $0xB;
	s15 =	simm.s32 $0x50;
	[dreg:$0x13] =	wrdreg s0  }
0x18: {  	s20 =	simm.s32 $0x300;
	s14 =	sadd.s32 s13, s3;
	[dreg:$0x14] =	wrdreg s26  }
0x19: {  	s16 =	sadd.s32 s13, s5;
	s19 =	sadd.s32 s18, s3;
	[dreg:$0x6] =	wrdreg s14  }
0x1a: {  	s21 =	sadd.s32 s18, s5;
	s23 =	sadd.s32 s22, s3;
	[dreg:$0x7] =	wrdreg s16  }
0x1b: {  	s24 =	sadd.s32 s22, s5;
	s3 =	sadd.s32 s9, s3;
	[dreg:$0x8] =	wrdreg s19  }
0x1c: {  	s25 =	sadd.s32 s9, s5;
	s13 =	simm.s32 $0xCD00;
	[dreg:$0x9] =	wrdreg s21  }
0x1d: {  	s0 =	simm.s32 $0x3;
	s5 =	simm.s32 $0x5;
	[dreg:$0xa] =	wrdreg s23  }
0x1e: {  	s7 =	simm.s32 $0x7;
	s9 =	simm.s32 $0x8;
	[dreg:$0xb] =	wrdreg s24  }
0x1f: {  	s11 =	simm.s32 $0xA;
	s22 =	simm.s32 $0x380;
	[dreg:$0xc] =	wrdreg s3  }
0x20: {  	s26 =	simm.s32 $0x7D00;
	s18 =	simm.s32 $0x80;
	[dreg:$0xd] =	wrdreg s25  }
0x21: {  	s3 =	simm.s32 $0x4;
	s16 =	simm.s32 $0x0;
	s23 =	simm.s32 $0x5500  }
0x22: {  	v0 =	vimm.f32 $1.000000000e+00;
	s25 =	simm.s32 $0x180;
	s24 =	simm.s32 $0x480;
	s19 =	simm.s32 $0x500  }
.LBB2_1:
0x23: {  	[dreg:$0x15] =	wrdreg s16  }
0x24: {  	s8 =	rddreg [dreg:$0xf]  }
0x25: {  	s14 =	rddreg [dreg:$0x10];
	s8 =	sshrl.u32 s8, $0x3  }
0x26: {  	[dreg:$0x16] =	wrdreg s8  }
0x27: {  	[spmem:s8], [sflag:s17] =	dma.local [hbm:s14], $0x400  }
0x28: {  	_ =	swait.ge [sflag:s12], $0x400  }
0x29: {  	[sflag:s12] =	ssyncset.done $0x0  }
0x2a: {  	s21 =	rddreg [dreg:$0xe];
	[sflag:s12] =	ssyncadd.s32 $0xFFFFFC00  }
0x2b: {  	[tilespmem:s13], [sflag:$0xB] =	stream.linear.gather [hbm4b:s21+s2], $0x400, $0x38;
	[tilespmem:$0xF100] =	vst v63  }
0x2c: {  	_ =	swait.ge [sflag:s12], $0x400  }
0x2d: {  	[sflag:s12] =	ssyncset.done $0x0  }
0x2e: {  	[sflag:s12] =	ssyncadd.s32 $0xFFFFFC00  }
0x2f: {  	s8 =	simm.s32 $0x0;
	[bflag:$0x0] =	sbarrier.arrive $0xFFFF  }
.LBB2_2:
0x30: {  	s14 =	rddreg [dreg:$0x5]  }
0x31: {  	s14 =	sadd.s32 s8, s14  }
0x32: {  	[tilespmem:s2], [sflag:$0xB] =	stream.linear.gather [hbm4b:s14+s2], $0x50, $0x38;
	[tilespmem:$0xF100] =	vst v63  }
0x33: {  	_ =	swait.ge [sflag:s12], $0x50  }
0x34: {  	s17 =	rddreg [dreg:$0x4];
	[sflag:s12] =	ssyncset.done $0x0  }
0x35: {  	s16 =	simm.s32 $0x280;
	[sflag:s12] =	ssyncadd.s32 $0xFFFFFFB0;
	s14 =	sadd.s32 s8, s17  }
0x36: {  	[tilespmem:s16], [sflag:$0xB] =	stream.linear.gather [hbm4b:s14+s2], $0x50, $0x38;
	[tilespmem:$0xF100] =	vst v63  }
0x37: {  	_ =	swait.ge [sflag:s12], $0x50  }
0x38: {  	[sflag:s12] =	ssyncset.done $0x0  }
0x39: {  	s21 =	rddreg [dreg:$0xd];
	[sflag:s12] =	ssyncadd.s32 $0xFFFFFFB0  }
0x3a: {  	[tilespmem:s19], [sflag:$0x1] =	stream.indirect.gather [hbm4b:s4+s15], $0x80, s2, s15, $0xb8;
	[tilespmem:$0xF100] =	vst v63  }
0x3b: {  	s14 =	sadd.s32 s8, s21;
	s21 =	simm.s32 $0x80  }
0x3c: {  	[tilespmem:s21], [sflag:$0xB] =	stream.linear.gather [hbm4b:s14+s2], $0x50, $0x38;
	[tilespmem:$0xF100] =	vst v63  }
0x3d: {  	_ =	swait.ge [sflag:s12], $0x50  }
0x3e: {  	s17 =	rddreg [dreg:$0xc];
	[sflag:s12] =	ssyncset.done $0x0  }
0x3f: {  	[sflag:s12] =	ssyncadd.s32 $0xFFFFFFB0;
	s14 =	sadd.s32 s8, s17  }
0x40: {  	[tilespmem:s20], [sflag:$0xB] =	stream.linear.gather [hbm4b:s14+s2], $0x50, $0x38;
	[tilespmem:$0xF100] =	vst v63  }
0x41: {  	_ =	swait.ge [sflag:s12], $0x50  }
0x42: {  	[sflag:s12] =	ssyncset.done $0x0  }
0x43: {  	s17 =	simm.s32 $0x2D00;
	s14 =	rddreg [dreg:$0xb];
	[sflag:s12] =	ssyncadd.s32 $0xFFFFFFB0  }
0x44: {  	[tilespmem:s17], [sflag:$0x2] =	stream.indirect.gather [hbm4b:s4+s15], $0x80, s21, s15, $0xb8;
	[tilespmem:$0xF100] =	vst v63  }
0x45: {  	s14 =	sadd.s32 s8, s14;
	s21 =	simm.s32 $0x100  }
0x46: {  	[tilespmem:s21], [sflag:$0xB] =	stream.linear.gather [hbm4b:s14+s2], $0x50, $0x38;
	[tilespmem:$0xF100] =	vst v63  }
0x47: {  	_ =	swait.ge [sflag:s12], $0x50  }
0x48: {  	s14 =	rddreg [dreg:$0xa];
	[sflag:s12] =	ssyncset.done $0x0  }
0x49: {  	[sflag:s12] =	ssyncadd.s32 $0xFFFFFFB0;
	s14 =	sadd.s32 s8, s14  }
0x4a: {  	[tilespmem:s22], [sflag:$0xB] =	stream.linear.gather [hbm4b:s14+s2], $0x50, $0x38;
	[tilespmem:$0xF100] =	vst v63  }
0x4b: {  	_ =	swait.ge [sflag:s12], $0x50  }
0x4c: {  	[sflag:s12] =	ssyncset.done $0x0  }
0x4d: {  	s14 =	rddreg [dreg:$0x9];
	[sflag:s12] =	ssyncadd.s32 $0xFFFFFFB0  }
0x4e: {  	[tilespmem:s23], [sflag:$0x3] =	stream.indirect.gather [hbm4b:s4+s15], $0x80, s21, s15, $0xb8;
	[tilespmem:$0xF100] =	vst v63  }
0x4f: {  	s14 =	sadd.s32 s8, s14  }
0x50: {  	[tilespmem:s25], [sflag:$0xB] =	stream.linear.gather [hbm4b:s14+s2], $0x50, $0x38;
	[tilespmem:$0xF100] =	vst v63  }
0x51: {  	_ =	swait.ge [sflag:s12], $0x50  }
0x52: {  	s21 =	rddreg [dreg:$0x8];
	[sflag:s12] =	ssyncset.done $0x0  }
0x53: {  	[sflag:s12] =	ssyncadd.s32 $0xFFFFFFB0;
	s14 =	sadd.s32 s8, s21;
	s21 =	simm.s32 $0x400  }
0x54: {  	[tilespmem:s21], [sflag:$0xB] =	stream.linear.gather [hbm4b:s14+s2], $0x50, $0x38;
	[tilespmem:$0xF100] =	vst v63  }
0x55: {  	_ =	swait.ge [sflag:s12], $0x50  }
0x56: {  	[sflag:s12] =	ssyncset.done $0x0  }
0x57: {  	s14 =	rddreg [dreg:$0x7];
	[sflag:s12] =	ssyncadd.s32 $0xFFFFFFB0  }
0x58: {  	[tilespmem:s26], [sflag:$0x4] =	stream.indirect.gather [hbm4b:s4+s15], $0x80, s25, s15, $0xb8;
	[tilespmem:$0xF100] =	vst v63  }
0x59: {  	s14 =	sadd.s32 s8, s14  }
0x5a: {  	[tilespmem:s28], [sflag:$0xB] =	stream.linear.gather [hbm4b:s14+s2], $0x50, $0x38;
	[tilespmem:$0xF100] =	vst v63  }
0x5b: {  	_ =	swait.ge [sflag:s12], $0x50  }
0x5c: {  	s14 =	rddreg [dreg:$0x6];
	[sflag:s12] =	ssyncset.done $0x0  }
0x5d: {  	[sflag:s12] =	ssyncadd.s32 $0xFFFFFFB0;
	s14 =	sadd.s32 s8, s14  }
0x5e: {  	[tilespmem:s24], [sflag:$0xB] =	stream.linear.gather [hbm4b:s14+s2], $0x50, $0x38;
	[tilespmem:$0xF100] =	vst v63  }
0x5f: {  	_ =	swait.ge [sflag:s12], $0x50  }
0x60: {  	[sflag:s12] =	ssyncset.done $0x0  }
0x61: {  	[sflag:s12] =	ssyncadd.s32 $0xFFFFFFB0  }
0x62: {  	[tilespmem:s29], [sflag:$0x5] =	stream.indirect.gather [hbm4b:s4+s15], $0x80, s28, s15, $0xb8;
	[tilespmem:$0xF100] =	vst v63  }
0x63: {  	_ =	swait.ge [sflag:s30], $0x2800  }
0x64: {  	[sflag:s30] =	ssyncset.done $0x0  }
0x65: {  	[sflag:s30] =	ssyncadd.s32 $0xFFFFD800  }
0x66: {  	[spmem:s1] =	stream.indirect.scatter.add.f32 [tilespmem:s19], [sflag:$0x6], $0x80, s16, s15, $0xb8;
	[tilespmem:$0xF100] =	vst v63  }
0x67: {  	v1 =	vld [tilespmem:$0x280];
	_ =	sdelay $0x7  }
0x68: {  	[tilespmem:v1+s13+$0x0] =	vst.idx.add.f32.msk $0xffff, v0  }
0x69: {  	v1 =	vld [tilespmem:$0x290];
	_ =	sdelay $0x7  }
0x6a: {  	[tilespmem:v1+s13+$0x0] =	vst.idx.add.f32.msk $0xffff, v0  }
0x6b: {  	v1 =	vld [tilespmem:$0x2A0];
	_ =	sdelay $0x7  }
0x6c: {  	[tilespmem:v1+s13+$0x0] =	vst.idx.add.f32.msk $0xffff, v0  }
0x6d: {  	v1 =	vld [tilespmem:$0x2B0];
	_ =	sdelay $0x7  }
0x6e: {  	[tilespmem:v1+s13+$0x0] =	vst.idx.add.f32.msk $0xffff, v0  }
0x6f: {  	v1 =	vld [tilespmem:$0x2C0];
	_ =	sdelay $0x7  }
0x70: {  	[tilespmem:v1+s13+$0x0] =	vst.idx.add.f32.msk $0xffff, v0  }
0x71: {  	_ =	swait.ge [sflag:s31], $0x2800  }
0x72: {  	[sflag:s31] =	ssyncset.done $0x0  }
0x73: {  	[sflag:s31] =	ssyncadd.s32 $0xFFFFD800  }
0x74: {  	[spmem:s1] =	stream.indirect.scatter.add.f32 [tilespmem:s17], [sflag:$0x7], $0x80, s20, s15, $0xb8;
	[tilespmem:$0xF100] =	vst v63  }
0x75: {  	v1 =	vld [tilespmem:$0x300];
	_ =	sdelay $0x7  }
0x76: {  	[tilespmem:v1+s13+$0x0] =	vst.idx.add.f32.msk $0xffff, v0  }
0x77: {  	v1 =	vld [tilespmem:$0x310];
	_ =	sdelay $0x7  }
0x78: {  	[tilespmem:v1+s13+$0x0] =	vst.idx.add.f32.msk $0xffff, v0  }
0x79: {  	v1 =	vld [tilespmem:$0x320];
	_ =	sdelay $0x7  }
0x7a: {  	[tilespmem:v1+s13+$0x0] =	vst.idx.add.f32.msk $0xffff, v0  }
0x7b: {  	v1 =	vld [tilespmem:$0x330];
	_ =	sdelay $0x7  }
0x7c: {  	[tilespmem:v1+s13+$0x0] =	vst.idx.add.f32.msk $0xffff, v0  }
0x7d: {  	v1 =	vld [tilespmem:$0x340];
	_ =	sdelay $0x7  }
0x7e: {  	[tilespmem:v1+s13+$0x0] =	vst.idx.add.f32.msk $0xffff, v0  }
0x7f: {  	_ =	swait.ge [sflag:s0], $0x2800  }
0x80: {  	[sflag:s0] =	ssyncset.done $0x0  }
0x81: {  	[sflag:s0] =	ssyncadd.s32 $0xFFFFD800  }
0x82: {  	[spmem:s1] =	stream.indirect.scatter.add.f32 [tilespmem:s23], [sflag:$0x8], $0x80, s22, s15, $0xb8;
	[tilespmem:$0xF100] =	vst v63  }
0x83: {  	v1 =	vld [tilespmem:$0x380];
	_ =	sdelay $0x7  }
0x84: {  	[tilespmem:v1+s13+$0x0] =	vst.idx.add.f32.msk $0xffff, v0  }
0x85: {  	v1 =	vld [tilespmem:$0x390];
	_ =	sdelay $0x7  }
0x86: {  	[tilespmem:v1+s13+$0x0] =	vst.idx.add.f32.msk $0xffff, v0  }
0x87: {  	v1 =	vld [tilespmem:$0x3A0];
	_ =	sdelay $0x7  }
0x88: {  	[tilespmem:v1+s13+$0x0] =	vst.idx.add.f32.msk $0xffff, v0  }
0x89: {  	v1 =	vld [tilespmem:$0x3B0];
	_ =	sdelay $0x7  }
0x8a: {  	[tilespmem:v1+s13+$0x0] =	vst.idx.add.f32.msk $0xffff, v0  }
0x8b: {  	v1 =	vld [tilespmem:$0x3C0];
	_ =	sdelay $0x7  }
0x8c: {  	[tilespmem:v1+s13+$0x0] =	vst.idx.add.f32.msk $0xffff, v0  }
0x8d: {  	_ =	swait.ge [sflag:s3], $0x2800  }
0x8e: {  	[sflag:s3] =	ssyncset.done $0x0  }
0x8f: {  	[sflag:s3] =	ssyncadd.s32 $0xFFFFD800  }
0x90: {  	[spmem:s1] =	stream.indirect.scatter.add.f32 [tilespmem:s26], [sflag:$0x9], $0x80, s21, s15, $0xb8;
	[tilespmem:$0xF100] =	vst v63  }
0x91: {  	v1 =	vld [tilespmem:$0x400];
	_ =	sdelay $0x7  }
0x92: {  	[tilespmem:v1+s13+$0x0] =	vst.idx.add.f32.msk $0xffff, v0  }
0x93: {  	v1 =	vld [tilespmem:$0x410];
	_ =	sdelay $0x7  }
0x94: {  	[tilespmem:v1+s13+$0x0] =	vst.idx.add.f32.msk $0xffff, v0  }
0x95: {  	v1 =	vld [tilespmem:$0x420];
	_ =	sdelay $0x7  }
0x96: {  	[tilespmem:v1+s13+$0x0] =	vst.idx.add.f32.msk $0xffff, v0  }
0x97: {  	v1 =	vld [tilespmem:$0x430];
	_ =	sdelay $0x7  }
0x98: {  	[tilespmem:v1+s13+$0x0] =	vst.idx.add.f32.msk $0xffff, v0  }
0x99: {  	v1 =	vld [tilespmem:$0x440];
	_ =	sdelay $0x7  }
0x9a: {  	[tilespmem:v1+s13+$0x0] =	vst.idx.add.f32.msk $0xffff, v0  }
0x9b: {  	_ =	swait.ge [sflag:s5], $0x2800  }
0x9c: {  	[sflag:s5] =	ssyncset.done $0x0  }
0x9d: {  	[sflag:s5] =	ssyncadd.s32 $0xFFFFD800  }
0x9e: {  	[spmem:s1] =	stream.indirect.scatter.add.f32 [tilespmem:s29], [sflag:$0xA], $0x80, s24, s15, $0xb8;
	[tilespmem:$0xF100] =	vst v63  }
0x9f: {  	v1 =	vld [tilespmem:$0x480];
	_ =	sdelay $0x7  }
0xa0: {  	[tilespmem:v1+s13+$0x0] =	vst.idx.add.f32.msk $0xffff, v0  }
0xa1: {  	v1 =	vld [tilespmem:$0x490];
	_ =	sdelay $0x7  }
0xa2: {  	[tilespmem:v1+s13+$0x0] =	vst.idx.add.f32.msk $0xffff, v0  }
0xa3: {  	v1 =	vld [tilespmem:$0x4A0];
	_ =	sdelay $0x7  }
0xa4: {  	[tilespmem:v1+s13+$0x0] =	vst.idx.add.f32.msk $0xffff, v0  }
0xa5: {  	v1 =	vld [tilespmem:$0x4B0];
	_ =	sdelay $0x7  }
0xa6: {  	[tilespmem:v1+s13+$0x0] =	vst.idx.add.f32.msk $0xffff, v0  }
0xa7: {  	v1 =	vld [tilespmem:$0x4C0];
	_ =	sdelay $0x7  }
0xa8: {  	[tilespmem:v1+s13+$0x0] =	vst.idx.add.f32.msk $0xffff, v0  }
0xa9: {  	_ =	swait.ge [sflag:s6], $0x2800  }
0xaa: {  	[sflag:s6] =	ssyncset.done $0x0  }
0xab: {  	[sflag:s6] =	ssyncadd.s32 $0xFFFFD800  }
0xac: {  	_ =	swait.ge [sflag:s7], $0x2800  }
0xad: {  	[sflag:s7] =	ssyncset.done $0x0  }
0xae: {  	[sflag:s7] =	ssyncadd.s32 $0xFFFFD800  }
0xaf: {  	_ =	swait.ge [sflag:s9], $0x2800  }
0xb0: {  	[sflag:s9] =	ssyncset.done $0x0  }
0xb1: {  	[sflag:s9] =	ssyncadd.s32 $0xFFFFD800  }
0xb2: {  	p0 =	sne.s32 s8, $0xC8;
	_ =	swait.ge [sflag:s10], $0x2800  }
.Ltmp0:
0xb3: {  	[sflag:s10] =	ssyncset.done $0x0;
	(pc) =	sbr.rel @p0 .LBB2_2-.Ltmp0, $4  }
0xb4: {  	[sflag:s10] =	ssyncadd.s32 $0xFFFFD800  }
0xb5: {  	_ =	swait.ge [sflag:s11], $0x2800  }
0xb6: {  	[sflag:s11] =	ssyncset.done $0x0  }
0xb7: {  	s8 =	sadd.s32 $0x32, s8;
	s14 =	simm.s32 $0x400;
	[sflag:s11] =	ssyncadd.s32 $0xFFFFD800  }
0xb8: {  	[bflag:$0x0] =	sbarrier.arrive $0xFFFF  }
0xb9: {  	s17 =	rddreg [dreg:$0x11]  }
0xba: {  	s8 =	rddreg [dreg:$0x12]  }
0xbb: {  	s16 =	rddreg [dreg:$0x16]  }
0xbc: {  	[hbm:s8], [sflag:s17] =	dma.local [spmem:s16], $0x400  }
0xbd: {  	_ =	swait.ge [sflag:s12], $0x400  }
0xbe: {  	[sflag:s12] =	ssyncset.done $0x0  }
0xbf: {  	s21 =	rddreg [dreg:$0x13];
	[sflag:s12] =	ssyncadd.s32 $0xFFFFFC00  }
0xc0: {  	[hbm4b:s21+s18] =	stream.strided.scatter [tilespmem:s13], [sflag:$0xB], $0x400, s14, s18, $0x38;
	[tilespmem:$0xF100] =	vst v63  }
0xc1: {  	_ =	swait.ge [sflag:s12], $0x400  }
0xc2: {  	s14 =	rddreg [dreg:$0x15]  }
0xc3: {  	s21 =	rddreg [dreg:$0x14];
	s16 =	sadd.s32 $0x1, s14  }
0xc4: {  	p0 =	sne.s32 s16, s21  }
.Ltmp1:
0xc5: {  	_ = 	snop;
	(pc) =	sbr.rel @p0 .LBB2_1-.Ltmp1, $3  }
0xc6: {  	_ =	sdelay $0x1  }
0xc7: {  	[sflag:s12] =	ssyncset.done $0x0  }
0xc8: {  	[sflag:s12] =	ssyncadd.s32 $0xFFFFFC00  }
0xc9: {  	_ =	sfence.sel $0x180000  }
0xca: {  	[bflag:$0x0] =	sbarrier.arrive $0xFFFF  }
0xcb: {  	_ =	strace $0x9000004A  }
0xcc: {  	s0 =	stileid.u32;
	[bflag:$0x2] =	sbarrier.arrive $0xFFFF  }
0xcd: {  	p0 =	sne.s32 s0, $0x0;
	s0 =	rddreg [dreg:$0x3]  }
0xce: {  	s0 =	sadd.s32 @!p0 $0x100000, s0  }
0xcf: {  	[sflag:s0] =	ssyncadd.tile.s32 @!p0 $0x1;
	_ =	shalt  }
.Lfunc_end2:
_tile_overlayer_lowered:
.L_overlay_start_2:
0xd0: {  	(tag) =	ssettag $0x2  }
0xd1: {  	s0 =	rddreg [dreg:$0x0];
	s2 =	stileid.u32  }
0xd2: {  	s1 =	rddreg [dreg:$0x1];
	p0 =	sne.s32 s2, $0x0  }
0xd3: {  	s3 =	rddreg [dreg:$0x2];
	[bflag:$0x3] =	sbarrier.arrive $0xFFFF;
	s2 =	simm.s32 @!p0 $0x1C0B  }
0xd4: {  	[timem:s3], [sflag:s2] =	dma.local @!p0 [hbm:s0], s1  }
0xd5: {  	s0 =	simm.s32 @!p0 $0xB  }
0xd6: {  	_ =	swait.ge @!p0 [sflag:s0], s1  }
0xd7: {  	s1 =	ssub.s32 @!p0 $0x0, s1;
	[sflag:s0] =	ssyncset.done @!p0 $0x0  }
0xd8: {  	[sflag:s0] =	ssyncadd.s32 @!p0 s1  }
0xd9: {  	[bflag:$0x3] =	sbarrier.arrive $0xFFFF  }
0xda: {  	_ =	shalt  }

</sc_bundles>
